<compile_context>
chip_gen: v7x
topology: tpu7x:2x2x1
jax: 0.10.2.dev20260603
libtpu: 0.0.44.dev20260713+nightly
codegen_flags: <defaults>
</compile_context>

<pallas_src>
import jax
import jax.numpy as jnp
from jax import lax
from jax.experimental import pallas as pl
from jax.experimental.pallas import tpu as pltpu
from jax.experimental.pallas import tpu_sc as plsc

EMBED = 64
B = 16384
P = 20
M = 20
C = P + M
CPAD = 48

NC = 2
NS = 16
NW = NC * NS
RW = B // NW
CB = 32
NCHUNK = RW // CB
IDX_W = 128
NIDX = CB * C // IDX_W
LANES = 16


def _body(tgt_hbm, ctx_hbm, in_hbm, out_hbm, scores_hbm,
          tgt_idx, ctx_idx, v_rows, u_rows, out_v, sem):
    wid = lax.axis_index("s") * NC + lax.axis_index("c")
    lane = lax.broadcasted_iota(jnp.int32, (LANES,), 0)

    def chunk_body(ci, carry):
        b0 = pl.multiple_of(wid * RW + ci * CB, CB)
        pltpu.sync_copy(tgt_hbm.at[pl.ds(b0, CB)], tgt_idx)
        r0 = pl.multiple_of(b0 * C, CB * C)
        pltpu.sync_copy(ctx_hbm.at[pl.ds(r0, CB * C)], ctx_idx)
        copies = [pltpu.make_async_copy(in_hbm.at[tgt_idx], v_rows, sem)]
        copies[0].start()
        for j in range(NIDX):
            c = pltpu.make_async_copy(
                out_hbm.at[ctx_idx.at[pl.ds(j * IDX_W, IDX_W)]],
                u_rows.at[pl.ds(j * IDX_W, IDX_W)], sem)
            c.start()
            copies.append(c)
        for c in copies:
            c.wait()

        def row_body(b, carry2):
            v0 = v_rows[b, pl.ds(0, LANES)]
            v1 = v_rows[b, pl.ds(16, LANES)]
            v2 = v_rows[b, pl.ds(32, LANES)]
            v3 = v_rows[b, pl.ds(48, LANES)]
            base = b * C
            for g in range(CPAD // LANES):
                res = jnp.zeros((LANES,), jnp.float32)
                n_in_group = min(LANES, C - g * LANES)
                for t in range(n_in_group):
                    row = base + g * LANES + t
                    acc = u_rows[row, pl.ds(0, LANES)] * v0
                    acc += u_rows[row, pl.ds(16, LANES)] * v1
                    acc += u_rows[row, pl.ds(32, LANES)] * v2
                    acc += u_rows[row, pl.ds(48, LANES)] * v3
                    res = jnp.where(lane == t, jnp.sum(acc), res)
                out_v[b, pl.ds(g * LANES, LANES)] = res
            return carry2

        lax.fori_loop(0, CB, row_body, 0)
        pltpu.sync_copy(out_v, scores_hbm.at[pl.ds(b0, CB)])
        return carry

    lax.fori_loop(0, NCHUNK, chunk_body, 0)


def _scores(target, ctx2, in_table, out_table):
    mesh = plsc.VectorSubcoreMesh(core_axis_name="c", subcore_axis_name="s")
    return pl.kernel(
        _body,
        out_type=jax.ShapeDtypeStruct((B, CPAD), jnp.float32),
        mesh=mesh,
        scratch_types=[
            pltpu.VMEM((CB,), jnp.int32),
            pltpu.VMEM((CB * C,), jnp.int32),
            pltpu.VMEM((CB, EMBED), jnp.float32),
            pltpu.VMEM((CB * C, EMBED), jnp.float32),
            pltpu.VMEM((CB, CPAD), jnp.float32),
            pltpu.SemaphoreType.DMA,
        ],
        compiler_params=pltpu.CompilerParams(
            needs_layout_passes=False, use_tc_tiling_on_sc=False),
    )(target, ctx2, in_table, out_table)


def kernel(target, pos_context, neg_context, in_table, out_table):
    ctx = jnp.concatenate([pos_context, neg_context], axis=1)
    ctx2 = ctx.reshape(B * C).astype(jnp.int32)
    scores = _scores(target.astype(jnp.int32), ctx2, in_table, out_table)
    return scores[:, :P], scores[:, P:C]

# --- scband reference (transcript-rebuilt; emitter-appended) ---
"""Pipeline reference for scband-skip-gram-31911607009280 (READ-ONLY COPY).

The authoritative reference and input builder live on the scoring server;
editing this copy changes nothing except your own understanding.
"""

import jax, jax.numpy as jnp
import numpy as np

VOCAB = 1000000
EMBED = 64
B = 16384
P = 20
M = 20

def setup_inputs(seed: int = 0) -> dict:
    key = jax.random.key(seed)
    k1, k2, k3, k4, k5 = jax.random.split(key, 5)
    target = jax.random.randint(k1, (B,), 0, VOCAB, dtype=jnp.int64) if jax.config.jax_enable_x64 else jax.random.randint(k1, (B,), 0, VOCAB).astype(jnp.int32)
    pos_context = jax.random.randint(k2, (B, P), 0, VOCAB).astype(target.dtype)
    neg_context = jax.random.randint(k3, (B, M), 0, VOCAB).astype(target.dtype)
    in_table = jax.random.normal(k4, (VOCAB, EMBED), dtype=jnp.float32) * 0.02
    out_table = jax.random.normal(k5, (VOCAB, EMBED), dtype=jnp.float32) * 0.02
    return {"target": target, "pos_context": pos_context, "neg_context": neg_context, "in_table": in_table, "out_table": out_table}

def reference(target, pos_context, neg_context, in_table, out_table):
    # v = in_embed(target): [B, d]
    v = jnp.take(in_table, target, axis=0)
    # pos_u = out_embed(pos_context): [B, P, d]
    pos_u = jnp.take(out_table, pos_context, axis=0)
    # neg_u = out_embed(neg_context): [B, M, d]
    neg_u = jnp.take(out_table, neg_context, axis=0)
    # bmm(pos_u, v.unsqueeze(2)) -> [B, P, 1]; sum over dim=2 -> [B, P]
    pos_score = jnp.einsum('bpd,bd->bp', pos_u, v)
    neg_score = jnp.einsum('bmd,bd->bm', neg_u, v)
    return (pos_score, neg_score)

if __name__ == "__main__":
    import jax
    _d = setup_inputs()
    print(jax.jit(kernel)(*tuple(_d.values())))

</pallas_src>

<mosaic_0001>
#map = affine_map<(d0, d1) -> (0)>
#map1 = affine_map<(d0, d1) -> (0, 0)>
module attributes {stable_mosaic.version = 14 : i64} {
  func.func @_body(%arg0: i32, %arg1: i32, %arg2: memref<16384xi32, #tpu.memory_space<hbm>>, %arg3: memref<655360xi32, #tpu.memory_space<hbm>>, %arg4: memref<1000000x64xf32, #tpu.memory_space<hbm>>, %arg5: memref<1000000x64xf32, #tpu.memory_space<hbm>>, %arg6: memref<16384x48xf32, #tpu.memory_space<hbm>>, %arg7: memref<32xi32, #tpu.memory_space<vmem>>, %arg8: memref<1280xi32, #tpu.memory_space<vmem>>, %arg9: memref<32x64xf32, #tpu.memory_space<vmem>>, %arg10: memref<1280x64xf32, #tpu.memory_space<vmem>>, %arg11: memref<32x48xf32, #tpu.memory_space<vmem>>, %arg12: memref<!tpu.dma_semaphore, #tpu.memory_space<semaphore_mem>>) attributes {dimension_semantics = [#tpu.dimension_semantics<core_parallel>, #tpu.dimension_semantics<subcore_parallel>], iteration_bounds = array<i64: 2, 16>, scalar_prefetch = 0 : i64, scratch_operands = 6 : i64, tpu.core_type = #tpu.core_type<sc_vector_subcore>, window_params = [{transform_indices = #map}, {transform_indices = #map}, {transform_indices = #map1}, {transform_indices = #map1}, {transform_indices = #map1}]} {
    %mul3A = arith.constant 2 : i32
    %mul3A_0 = arith.muli %arg1, %mul3A : i32
    %add3A = arith.addi %mul3A_0, %arg0 : i32
    %iota3A = tpu.iota {dimensions = array<i32: 0>} : vector<16xi32>
    %scan3A = arith.constant 0 : i32
    %scan3A_1 = arith.constant 0 : i32
    %scan3A_2 = arith.constant 16 : i32
    %scan3A_3 = arith.addi %scan3A_1, %scan3A_2 : i32
    %scan3A_4 = arith.constant 1 : i32
    scf.for %scan3A_6 = %scan3A_1 to %scan3A_3 step %scan3A_4  : i32 {
      %mul3A_7 = arith.constant 512 : i32
      %mul3A_8 = arith.muli %add3A, %mul3A_7 : i32
      %mul3A_9 = arith.constant 32 : i32
      %mul3A_10 = arith.muli %scan3A_6, %mul3A_9 : i32
      %add3A_11 = arith.addi %mul3A_8, %mul3A_10 : i32
      %multiple_of3A = tpu.assume_multiple %add3A_11, 32 : i32
      "tpu.region"() ({
        %run_scoped3A = tpu.sem_alloc : memref<!tpu.dma_semaphore, #tpu.memory_space<semaphore_mem>>
        %dma_start3A_185 = tpu.memref_slice %arg2[%multiple_of3A] : memref<16384xi32, #tpu.memory_space<hbm>> -> memref<32xi32, #tpu.memory_space<hbm>>
        %dma_start3A_186 = tpu.memref_slice %arg2[%multiple_of3A] : memref<16384xi32, #tpu.memory_space<hbm>> -> memref<32xi32, #tpu.memory_space<hbm>>
        tpu.enqueue_dma source(%dma_start3A_186 : memref<32xi32, #tpu.memory_space<hbm>>) target(%arg7 : memref<32xi32, #tpu.memory_space<vmem>>) target_semaphore(%run_scoped3A : memref<!tpu.dma_semaphore, #tpu.memory_space<semaphore_mem>>)
        %dma_wait3A_187 = tpu.memref_slice %arg2[%multiple_of3A] : memref<16384xi32, #tpu.memory_space<hbm>> -> memref<32xi32, #tpu.memory_space<hbm>>
        %dma_wait3A_188 = tpu.memref_slice %arg2[%multiple_of3A] : memref<16384xi32, #tpu.memory_space<hbm>> -> memref<32xi32, #tpu.memory_space<hbm>>
        tpu.wait_dma2 semaphore(%run_scoped3A : memref<!tpu.dma_semaphore, #tpu.memory_space<semaphore_mem>>) src(%dma_wait3A_188 : memref<32xi32, #tpu.memory_space<hbm>>) dst(%arg7 : memref<32xi32, #tpu.memory_space<vmem>>)
        tpu.yield
      }) : () -> ()
      %mul3A_12 = arith.constant 40 : i32
      %mul3A_13 = arith.muli %multiple_of3A, %mul3A_12 : i32
      %multiple_of3A_14 = tpu.assume_multiple %mul3A_13, 1280 : i32
      "tpu.region"() ({
        %run_scoped3A = tpu.sem_alloc : memref<!tpu.dma_semaphore, #tpu.memory_space<semaphore_mem>>
        %dma_start3A_185 = tpu.memref_slice %arg3[%multiple_of3A_14] : memref<655360xi32, #tpu.memory_space<hbm>> -> memref<1280xi32, #tpu.memory_space<hbm>>
        %dma_start3A_186 = tpu.memref_slice %arg3[%multiple_of3A_14] : memref<655360xi32, #tpu.memory_space<hbm>> -> memref<1280xi32, #tpu.memory_space<hbm>>
        tpu.enqueue_dma source(%dma_start3A_186 : memref<1280xi32, #tpu.memory_space<hbm>>) target(%arg8 : memref<1280xi32, #tpu.memory_space<vmem>>) target_semaphore(%run_scoped3A : memref<!tpu.dma_semaphore, #tpu.memory_space<semaphore_mem>>)
        %dma_wait3A_187 = tpu.memref_slice %arg3[%multiple_of3A_14] : memref<655360xi32, #tpu.memory_space<hbm>> -> memref<1280xi32, #tpu.memory_space<hbm>>
        %dma_wait3A_188 = tpu.memref_slice %arg3[%multiple_of3A_14] : memref<655360xi32, #tpu.memory_space<hbm>> -> memref<1280xi32, #tpu.memory_space<hbm>>
        tpu.wait_dma2 semaphore(%run_scoped3A : memref<!tpu.dma_semaphore, #tpu.memory_space<semaphore_mem>>) src(%dma_wait3A_188 : memref<1280xi32, #tpu.memory_space<hbm>>) dst(%arg8 : memref<1280xi32, #tpu.memory_space<vmem>>)
        tpu.yield
      }) : () -> ()
      %dma_start3A = arith.constant 0 : i32
      %dma_start3A_15 = arith.constant 0 : i32
      %dma_start3A_16 = tpu.memref_slice %arg4[%dma_start3A, %dma_start3A_15] : memref<1000000x64xf32, #tpu.memory_space<hbm>> -> memref<1000000x64xf32, #tpu.memory_space<hbm>>
      tpu.enqueue_indirect_dma source(%dma_start3A_16 : memref<1000000x64xf32, #tpu.memory_space<hbm>>) target(%arg9 : memref<32x64xf32, #tpu.memory_space<vmem>>) offsets(%arg7 : memref<32xi32, #tpu.memory_space<vmem>>) semaphore(%arg12 : memref<!tpu.dma_semaphore, #tpu.memory_space<semaphore_mem>>)
      %dma_start3A_17 = arith.constant 0 : i32
      %dma_start3A_18 = arith.constant 0 : i32
      %dma_start3A_19 = tpu.memref_slice %arg10[%dma_start3A_17, %dma_start3A_18] : memref<1280x64xf32, #tpu.memory_space<vmem>> -> memref<128x64xf32, #tpu.memory_space<vmem>>
      %dma_start3A_20 = arith.constant 0 : i32
      %dma_start3A_21 = tpu.memref_slice %arg8[%dma_start3A_20] : memref<1280xi32, #tpu.memory_space<vmem>> -> memref<128xi32, #tpu.memory_space<vmem>>
      %dma_start3A_22 = arith.constant 0 : i32
      %dma_start3A_23 = arith.constant 0 : i32
      %dma_start3A_24 = tpu.memref_slice %arg5[%dma_start3A_22, %dma_start3A_23] : memref<1000000x64xf32, #tpu.memory_space<hbm>> -> memref<1000000x64xf32, #tpu.memory_space<hbm>>
      tpu.enqueue_indirect_dma source(%dma_start3A_24 : memref<1000000x64xf32, #tpu.memory_space<hbm>>) target(%dma_start3A_19 : memref<128x64xf32, #tpu.memory_space<vmem>>) offsets(%dma_start3A_21 : memref<128xi32, #tpu.memory_space<vmem>>) semaphore(%arg12 : memref<!tpu.dma_semaphore, #tpu.memory_space<semaphore_mem>>)
      %dma_start3A_25 = arith.constant 128 : i32
      %dma_start3A_26 = arith.constant 0 : i32
      %dma_start3A_27 = tpu.memref_slice %arg10[%dma_start3A_25, %dma_start3A_26] : memref<1280x64xf32, #tpu.memory_space<vmem>> -> memref<128x64xf32, #tpu.memory_space<vmem>>
      %dma_start3A_28 = arith.constant 128 : i32
      %dma_start3A_29 = tpu.memref_slice %arg8[%dma_start3A_28] : memref<1280xi32, #tpu.memory_space<vmem>> -> memref<128xi32, #tpu.memory_space<vmem>>
      %dma_start3A_30 = arith.constant 0 : i32
      %dma_start3A_31 = arith.constant 0 : i32
      %dma_start3A_32 = tpu.memref_slice %arg5[%dma_start3A_30, %dma_start3A_31] : memref<1000000x64xf32, #tpu.memory_space<hbm>> -> memref<1000000x64xf32, #tpu.memory_space<hbm>>
      tpu.enqueue_indirect_dma source(%dma_start3A_32 : memref<1000000x64xf32, #tpu.memory_space<hbm>>) target(%dma_start3A_27 : memref<128x64xf32, #tpu.memory_space<vmem>>) offsets(%dma_start3A_29 : memref<128xi32, #tpu.memory_space<vmem>>) semaphore(%arg12 : memref<!tpu.dma_semaphore, #tpu.memory_space<semaphore_mem>>)
      %dma_start3A_33 = arith.constant 256 : i32
      %dma_start3A_34 = arith.constant 0 : i32
      %dma_start3A_35 = tpu.memref_slice %arg10[%dma_start3A_33, %dma_start3A_34] : memref<1280x64xf32, #tpu.memory_space<vmem>> -> memref<128x64xf32, #tpu.memory_space<vmem>>
      %dma_start3A_36 = arith.constant 256 : i32
      %dma_start3A_37 = tpu.memref_slice %arg8[%dma_start3A_36] : memref<1280xi32, #tpu.memory_space<vmem>> -> memref<128xi32, #tpu.memory_space<vmem>>
      %dma_start3A_38 = arith.constant 0 : i32
      %dma_start3A_39 = arith.constant 0 : i32
      %dma_start3A_40 = tpu.memref_slice %arg5[%dma_start3A_38, %dma_start3A_39] : memref<1000000x64xf32, #tpu.memory_space<hbm>> -> memref<1000000x64xf32, #tpu.memory_space<hbm>>
      tpu.enqueue_indirect_dma source(%dma_start3A_40 : memref<1000000x64xf32, #tpu.memory_space<hbm>>) target(%dma_start3A_35 : memref<128x64xf32, #tpu.memory_space<vmem>>) offsets(%dma_start3A_37 : memref<128xi32, #tpu.memory_space<vmem>>) semaphore(%arg12 : memref<!tpu.dma_semaphore, #tpu.memory_space<semaphore_mem>>)
      %dma_start3A_41 = arith.constant 384 : i32
      %dma_start3A_42 = arith.constant 0 : i32
      %dma_start3A_43 = tpu.memref_slice %arg10[%dma_start3A_41, %dma_start3A_42] : memref<1280x64xf32, #tpu.memory_space<vmem>> -> memref<128x64xf32, #tpu.memory_space<vmem>>
      %dma_start3A_44 = arith.constant 384 : i32
      %dma_start3A_45 = tpu.memref_slice %arg8[%dma_start3A_44] : memref<1280xi32, #tpu.memory_space<vmem>> -> memref<128xi32, #tpu.memory_space<vmem>>
      %dma_start3A_46 = arith.constant 0 : i32
      %dma_start3A_47 = arith.constant 0 : i32
      %dma_start3A_48 = tpu.memref_slice %arg5[%dma_start3A_46, %dma_start3A_47] : memref<1000000x64xf32, #tpu.memory_space<hbm>> -> memref<1000000x64xf32, #tpu.memory_space<hbm>>
      tpu.enqueue_indirect_dma source(%dma_start3A_48 : memref<1000000x64xf32, #tpu.memory_space<hbm>>) target(%dma_start3A_43 : memref<128x64xf32, #tpu.memory_space<vmem>>) offsets(%dma_start3A_45 : memref<128xi32, #tpu.memory_space<vmem>>) semaphore(%arg12 : memref<!tpu.dma_semaphore, #tpu.memory_space<semaphore_mem>>)
      %dma_start3A_49 = arith.constant 512 : i32
      %dma_start3A_50 = arith.constant 0 : i32
      %dma_start3A_51 = tpu.memref_slice %arg10[%dma_start3A_49, %dma_start3A_50] : memref<1280x64xf32, #tpu.memory_space<vmem>> -> memref<128x64xf32, #tpu.memory_space<vmem>>
      %dma_start3A_52 = arith.constant 512 : i32
      %dma_start3A_53 = tpu.memref_slice %arg8[%dma_start3A_52] : memref<1280xi32, #tpu.memory_space<vmem>> -> memref<128xi32, #tpu.memory_space<vmem>>
      %dma_start3A_54 = arith.constant 0 : i32
      %dma_start3A_55 = arith.constant 0 : i32
      %dma_start3A_56 = tpu.memref_slice %arg5[%dma_start3A_54, %dma_start3A_55] : memref<1000000x64xf32, #tpu.memory_space<hbm>> -> memref<1000000x64xf32, #tpu.memory_space<hbm>>
      tpu.enqueue_indirect_dma source(%dma_start3A_56 : memref<1000000x64xf32, #tpu.memory_space<hbm>>) target(%dma_start3A_51 : memref<128x64xf32, #tpu.memory_space<vmem>>) offsets(%dma_start3A_53 : memref<128xi32, #tpu.memory_space<vmem>>) semaphore(%arg12 : memref<!tpu.dma_semaphore, #tpu.memory_space<semaphore_mem>>)
      %dma_start3A_57 = arith.constant 640 : i32
      %dma_start3A_58 = arith.constant 0 : i32
      %dma_start3A_59 = tpu.memref_slice %arg10[%dma_start3A_57, %dma_start3A_58] : memref<1280x64xf32, #tpu.memory_space<vmem>> -> memref<128x64xf32, #tpu.memory_space<vmem>>
      %dma_start3A_60 = arith.constant 640 : i32
      %dma_start3A_61 = tpu.memref_slice %arg8[%dma_start3A_60] : memref<1280xi32, #tpu.memory_space<vmem>> -> memref<128xi32, #tpu.memory_space<vmem>>
      %dma_start3A_62 = arith.constant 0 : i32
      %dma_start3A_63 = arith.constant 0 : i32
      %dma_start3A_64 = tpu.memref_slice %arg5[%dma_start3A_62, %dma_start3A_63] : memref<1000000x64xf32, #tpu.memory_space<hbm>> -> memref<1000000x64xf32, #tpu.memory_space<hbm>>
      tpu.enqueue_indirect_dma source(%dma_start3A_64 : memref<1000000x64xf32, #tpu.memory_space<hbm>>) target(%dma_start3A_59 : memref<128x64xf32, #tpu.memory_space<vmem>>) offsets(%dma_start3A_61 : memref<128xi32, #tpu.memory_space<vmem>>) semaphore(%arg12 : memref<!tpu.dma_semaphore, #tpu.memory_space<semaphore_mem>>)
      %dma_start3A_65 = arith.constant 768 : i32
      %dma_start3A_66 = arith.constant 0 : i32
      %dma_start3A_67 = tpu.memref_slice %arg10[%dma_start3A_65, %dma_start3A_66] : memref<1280x64xf32, #tpu.memory_space<vmem>> -> memref<128x64xf32, #tpu.memory_space<vmem>>
      %dma_start3A_68 = arith.constant 768 : i32
      %dma_start3A_69 = tpu.memref_slice %arg8[%dma_start3A_68] : memref<1280xi32, #tpu.memory_space<vmem>> -> memref<128xi32, #tpu.memory_space<vmem>>
      %dma_start3A_70 = arith.constant 0 : i32
      %dma_start3A_71 = arith.constant 0 : i32
      %dma_start3A_72 = tpu.memref_slice %arg5[%dma_start3A_70, %dma_start3A_71] : memref<1000000x64xf32, #tpu.memory_space<hbm>> -> memref<1000000x64xf32, #tpu.memory_space<hbm>>
      tpu.enqueue_indirect_dma source(%dma_start3A_72 : memref<1000000x64xf32, #tpu.memory_space<hbm>>) target(%dma_start3A_67 : memref<128x64xf32, #tpu.memory_space<vmem>>) offsets(%dma_start3A_69 : memref<128xi32, #tpu.memory_space<vmem>>) semaphore(%arg12 : memref<!tpu.dma_semaphore, #tpu.memory_space<semaphore_mem>>)
      %dma_start3A_73 = arith.constant 896 : i32
      %dma_start3A_74 = arith.constant 0 : i32
      %dma_start3A_75 = tpu.memref_slice %arg10[%dma_start3A_73, %dma_start3A_74] : memref<1280x64xf32, #tpu.memory_space<vmem>> -> memref<128x64xf32, #tpu.memory_space<vmem>>
      %dma_start3A_76 = arith.constant 896 : i32
      %dma_start3A_77 = tpu.memref_slice %arg8[%dma_start3A_76] : memref<1280xi32, #tpu.memory_space<vmem>> -> memref<128xi32, #tpu.memory_space<vmem>>
      %dma_start3A_78 = arith.constant 0 : i32
      %dma_start3A_79 = arith.constant 0 : i32
      %dma_start3A_80 = tpu.memref_slice %arg5[%dma_start3A_78, %dma_start3A_79] : memref<1000000x64xf32, #tpu.memory_space<hbm>> -> memref<1000000x64xf32, #tpu.memory_space<hbm>>
      tpu.enqueue_indirect_dma source(%dma_start3A_80 : memref<1000000x64xf32, #tpu.memory_space<hbm>>) target(%dma_start3A_75 : memref<128x64xf32, #tpu.memory_space<vmem>>) offsets(%dma_start3A_77 : memref<128xi32, #tpu.memory_space<vmem>>) semaphore(%arg12 : memref<!tpu.dma_semaphore, #tpu.memory_space<semaphore_mem>>)
      %dma_start3A_81 = arith.constant 1024 : i32
      %dma_start3A_82 = arith.constant 0 : i32
      %dma_start3A_83 = tpu.memref_slice %arg10[%dma_start3A_81, %dma_start3A_82] : memref<1280x64xf32, #tpu.memory_space<vmem>> -> memref<128x64xf32, #tpu.memory_space<vmem>>
      %dma_start3A_84 = arith.constant 1024 : i32
      %dma_start3A_85 = tpu.memref_slice %arg8[%dma_start3A_84] : memref<1280xi32, #tpu.memory_space<vmem>> -> memref<128xi32, #tpu.memory_space<vmem>>
      %dma_start3A_86 = arith.constant 0 : i32
      %dma_start3A_87 = arith.constant 0 : i32
      %dma_start3A_88 = tpu.memref_slice %arg5[%dma_start3A_86, %dma_start3A_87] : memref<1000000x64xf32, #tpu.memory_space<hbm>> -> memref<1000000x64xf32, #tpu.memory_space<hbm>>
      tpu.enqueue_indirect_dma source(%dma_start3A_88 : memref<1000000x64xf32, #tpu.memory_space<hbm>>) target(%dma_start3A_83 : memref<128x64xf32, #tpu.memory_space<vmem>>) offsets(%dma_start3A_85 : memref<128xi32, #tpu.memory_space<vmem>>) semaphore(%arg12 : memref<!tpu.dma_semaphore, #tpu.memory_space<semaphore_mem>>)
      %dma_start3A_89 = arith.constant 1152 : i32
      %dma_start3A_90 = arith.constant 0 : i32
      %dma_start3A_91 = tpu.memref_slice %arg10[%dma_start3A_89, %dma_start3A_90] : memref<1280x64xf32, #tpu.memory_space<vmem>> -> memref<128x64xf32, #tpu.memory_space<vmem>>
      %dma_start3A_92 = arith.constant 1152 : i32
      %dma_start3A_93 = tpu.memref_slice %arg8[%dma_start3A_92] : memref<1280xi32, #tpu.memory_space<vmem>> -> memref<128xi32, #tpu.memory_space<vmem>>
      %dma_start3A_94 = arith.constant 0 : i32
      %dma_start3A_95 = arith.constant 0 : i32
      %dma_start3A_96 = tpu.memref_slice %arg5[%dma_start3A_94, %dma_start3A_95] : memref<1000000x64xf32, #tpu.memory_space<hbm>> -> memref<1000000x64xf32, #tpu.memory_space<hbm>>
      tpu.enqueue_indirect_dma source(%dma_start3A_96 : memref<1000000x64xf32, #tpu.memory_space<hbm>>) target(%dma_start3A_91 : memref<128x64xf32, #tpu.memory_space<vmem>>) offsets(%dma_start3A_93 : memref<128xi32, #tpu.memory_space<vmem>>) semaphore(%arg12 : memref<!tpu.dma_semaphore, #tpu.memory_space<semaphore_mem>>)
      %dma_wait3A = arith.constant 0 : i32
      %dma_wait3A_97 = arith.constant 0 : i32
      %dma_wait3A_98 = tpu.memref_slice %arg4[%dma_wait3A, %dma_wait3A_97] : memref<1000000x64xf32, #tpu.memory_space<hbm>> -> memref<1000000x64xf32, #tpu.memory_space<hbm>>
      tpu.wait_indirect_dma semaphore(%arg12 : memref<!tpu.dma_semaphore, #tpu.memory_space<semaphore_mem>>) src(%dma_wait3A_98 : memref<1000000x64xf32, #tpu.memory_space<hbm>>) dst(%arg9 : memref<32x64xf32, #tpu.memory_space<vmem>>)
      %dma_wait3A_99 = arith.constant 0 : i32
      %dma_wait3A_100 = arith.constant 0 : i32
      %dma_wait3A_101 = tpu.memref_slice %arg10[%dma_wait3A_99, %dma_wait3A_100] : memref<1280x64xf32, #tpu.memory_space<vmem>> -> memref<128x64xf32, #tpu.memory_space<vmem>>
      %dma_wait3A_102 = arith.constant 0 : i32
      %dma_wait3A_103 = tpu.memref_slice %arg8[%dma_wait3A_102] : memref<1280xi32, #tpu.memory_space<vmem>> -> memref<128xi32, #tpu.memory_space<vmem>>
      %dma_wait3A_104 = arith.constant 0 : i32
      %dma_wait3A_105 = arith.constant 0 : i32
      %dma_wait3A_106 = tpu.memref_slice %arg5[%dma_wait3A_104, %dma_wait3A_105] : memref<1000000x64xf32, #tpu.memory_space<hbm>> -> memref<1000000x64xf32, #tpu.memory_space<hbm>>
      tpu.wait_indirect_dma semaphore(%arg12 : memref<!tpu.dma_semaphore, #tpu.memory_space<semaphore_mem>>) src(%dma_wait3A_106 : memref<1000000x64xf32, #tpu.memory_space<hbm>>) dst(%dma_wait3A_101 : memref<128x64xf32, #tpu.memory_space<vmem>>)
      %dma_wait3A_107 = arith.constant 128 : i32
      %dma_wait3A_108 = arith.constant 0 : i32
      %dma_wait3A_109 = tpu.memref_slice %arg10[%dma_wait3A_107, %dma_wait3A_108] : memref<1280x64xf32, #tpu.memory_space<vmem>> -> memref<128x64xf32, #tpu.memory_space<vmem>>
      %dma_wait3A_110 = arith.constant 128 : i32
      %dma_wait3A_111 = tpu.memref_slice %arg8[%dma_wait3A_110] : memref<1280xi32, #tpu.memory_space<vmem>> -> memref<128xi32, #tpu.memory_space<vmem>>
      %dma_wait3A_112 = arith.constant 0 : i32
      %dma_wait3A_113 = arith.constant 0 : i32
      %dma_wait3A_114 = tpu.memref_slice %arg5[%dma_wait3A_112, %dma_wait3A_113] : memref<1000000x64xf32, #tpu.memory_space<hbm>> -> memref<1000000x64xf32, #tpu.memory_space<hbm>>
      tpu.wait_indirect_dma semaphore(%arg12 : memref<!tpu.dma_semaphore, #tpu.memory_space<semaphore_mem>>) src(%dma_wait3A_114 : memref<1000000x64xf32, #tpu.memory_space<hbm>>) dst(%dma_wait3A_109 : memref<128x64xf32, #tpu.memory_space<vmem>>)
      %dma_wait3A_115 = arith.constant 256 : i32
      %dma_wait3A_116 = arith.constant 0 : i32
      %dma_wait3A_117 = tpu.memref_slice %arg10[%dma_wait3A_115, %dma_wait3A_116] : memref<1280x64xf32, #tpu.memory_space<vmem>> -> memref<128x64xf32, #tpu.memory_space<vmem>>
      %dma_wait3A_118 = arith.constant 256 : i32
      %dma_wait3A_119 = tpu.memref_slice %arg8[%dma_wait3A_118] : memref<1280xi32, #tpu.memory_space<vmem>> -> memref<128xi32, #tpu.memory_space<vmem>>
      %dma_wait3A_120 = arith.constant 0 : i32
      %dma_wait3A_121 = arith.constant 0 : i32
      %dma_wait3A_122 = tpu.memref_slice %arg5[%dma_wait3A_120, %dma_wait3A_121] : memref<1000000x64xf32, #tpu.memory_space<hbm>> -> memref<1000000x64xf32, #tpu.memory_space<hbm>>
      tpu.wait_indirect_dma semaphore(%arg12 : memref<!tpu.dma_semaphore, #tpu.memory_space<semaphore_mem>>) src(%dma_wait3A_122 : memref<1000000x64xf32, #tpu.memory_space<hbm>>) dst(%dma_wait3A_117 : memref<128x64xf32, #tpu.memory_space<vmem>>)
      %dma_wait3A_123 = arith.constant 384 : i32
      %dma_wait3A_124 = arith.constant 0 : i32
      %dma_wait3A_125 = tpu.memref_slice %arg10[%dma_wait3A_123, %dma_wait3A_124] : memref<1280x64xf32, #tpu.memory_space<vmem>> -> memref<128x64xf32, #tpu.memory_space<vmem>>
      %dma_wait3A_126 = arith.constant 384 : i32
      %dma_wait3A_127 = tpu.memref_slice %arg8[%dma_wait3A_126] : memref<1280xi32, #tpu.memory_space<vmem>> -> memref<128xi32, #tpu.memory_space<vmem>>
      %dma_wait3A_128 = arith.constant 0 : i32
      %dma_wait3A_129 = arith.constant 0 : i32
      %dma_wait3A_130 = tpu.memref_slice %arg5[%dma_wait3A_128, %dma_wait3A_129] : memref<1000000x64xf32, #tpu.memory_space<hbm>> -> memref<1000000x64xf32, #tpu.memory_space<hbm>>
      tpu.wait_indirect_dma semaphore(%arg12 : memref<!tpu.dma_semaphore, #tpu.memory_space<semaphore_mem>>) src(%dma_wait3A_130 : memref<1000000x64xf32, #tpu.memory_space<hbm>>) dst(%dma_wait3A_125 : memref<128x64xf32, #tpu.memory_space<vmem>>)
      %dma_wait3A_131 = arith.constant 512 : i32
      %dma_wait3A_132 = arith.constant 0 : i32
      %dma_wait3A_133 = tpu.memref_slice %arg10[%dma_wait3A_131, %dma_wait3A_132] : memref<1280x64xf32, #tpu.memory_space<vmem>> -> memref<128x64xf32, #tpu.memory_space<vmem>>
      %dma_wait3A_134 = arith.constant 512 : i32
      %dma_wait3A_135 = tpu.memref_slice %arg8[%dma_wait3A_134] : memref<1280xi32, #tpu.memory_space<vmem>> -> memref<128xi32, #tpu.memory_space<vmem>>
      %dma_wait3A_136 = arith.constant 0 : i32
      %dma_wait3A_137 = arith.constant 0 : i32
      %dma_wait3A_138 = tpu.memref_slice %arg5[%dma_wait3A_136, %dma_wait3A_137] : memref<1000000x64xf32, #tpu.memory_space<hbm>> -> memref<1000000x64xf32, #tpu.memory_space<hbm>>
      tpu.wait_indirect_dma semaphore(%arg12 : memref<!tpu.dma_semaphore, #tpu.memory_space<semaphore_mem>>) src(%dma_wait3A_138 : memref<1000000x64xf32, #tpu.memory_space<hbm>>) dst(%dma_wait3A_133 : memref<128x64xf32, #tpu.memory_space<vmem>>)
      %dma_wait3A_139 = arith.constant 640 : i32
      %dma_wait3A_140 = arith.constant 0 : i32
      %dma_wait3A_141 = tpu.memref_slice %arg10[%dma_wait3A_139, %dma_wait3A_140] : memref<1280x64xf32, #tpu.memory_space<vmem>> -> memref<128x64xf32, #tpu.memory_space<vmem>>
      %dma_wait3A_142 = arith.constant 640 : i32
      %dma_wait3A_143 = tpu.memref_slice %arg8[%dma_wait3A_142] : memref<1280xi32, #tpu.memory_space<vmem>> -> memref<128xi32, #tpu.memory_space<vmem>>
      %dma_wait3A_144 = arith.constant 0 : i32
      %dma_wait3A_145 = arith.constant 0 : i32
      %dma_wait3A_146 = tpu.memref_slice %arg5[%dma_wait3A_144, %dma_wait3A_145] : memref<1000000x64xf32, #tpu.memory_space<hbm>> -> memref<1000000x64xf32, #tpu.memory_space<hbm>>
      tpu.wait_indirect_dma semaphore(%arg12 : memref<!tpu.dma_semaphore, #tpu.memory_space<semaphore_mem>>) src(%dma_wait3A_146 : memref<1000000x64xf32, #tpu.memory_space<hbm>>) dst(%dma_wait3A_141 : memref<128x64xf32, #tpu.memory_space<vmem>>)
      %dma_wait3A_147 = arith.constant 768 : i32
      %dma_wait3A_148 = arith.constant 0 : i32
      %dma_wait3A_149 = tpu.memref_slice %arg10[%dma_wait3A_147, %dma_wait3A_148] : memref<1280x64xf32, #tpu.memory_space<vmem>> -> memref<128x64xf32, #tpu.memory_space<vmem>>
      %dma_wait3A_150 = arith.constant 768 : i32
      %dma_wait3A_151 = tpu.memref_slice %arg8[%dma_wait3A_150] : memref<1280xi32, #tpu.memory_space<vmem>> -> memref<128xi32, #tpu.memory_space<vmem>>
      %dma_wait3A_152 = arith.constant 0 : i32
      %dma_wait3A_153 = arith.constant 0 : i32
      %dma_wait3A_154 = tpu.memref_slice %arg5[%dma_wait3A_152, %dma_wait3A_153] : memref<1000000x64xf32, #tpu.memory_space<hbm>> -> memref<1000000x64xf32, #tpu.memory_space<hbm>>
      tpu.wait_indirect_dma semaphore(%arg12 : memref<!tpu.dma_semaphore, #tpu.memory_space<semaphore_mem>>) src(%dma_wait3A_154 : memref<1000000x64xf32, #tpu.memory_space<hbm>>) dst(%dma_wait3A_149 : memref<128x64xf32, #tpu.memory_space<vmem>>)
      %dma_wait3A_155 = arith.constant 896 : i32
      %dma_wait3A_156 = arith.constant 0 : i32
      %dma_wait3A_157 = tpu.memref_slice %arg10[%dma_wait3A_155, %dma_wait3A_156] : memref<1280x64xf32, #tpu.memory_space<vmem>> -> memref<128x64xf32, #tpu.memory_space<vmem>>
      %dma_wait3A_158 = arith.constant 896 : i32
      %dma_wait3A_159 = tpu.memref_slice %arg8[%dma_wait3A_158] : memref<1280xi32, #tpu.memory_space<vmem>> -> memref<128xi32, #tpu.memory_space<vmem>>
      %dma_wait3A_160 = arith.constant 0 : i32
      %dma_wait3A_161 = arith.constant 0 : i32
      %dma_wait3A_162 = tpu.memref_slice %arg5[%dma_wait3A_160, %dma_wait3A_161] : memref<1000000x64xf32, #tpu.memory_space<hbm>> -> memref<1000000x64xf32, #tpu.memory_space<hbm>>
      tpu.wait_indirect_dma semaphore(%arg12 : memref<!tpu.dma_semaphore, #tpu.memory_space<semaphore_mem>>) src(%dma_wait3A_162 : memref<1000000x64xf32, #tpu.memory_space<hbm>>) dst(%dma_wait3A_157 : memref<128x64xf32, #tpu.memory_space<vmem>>)
      %dma_wait3A_163 = arith.constant 1024 : i32
      %dma_wait3A_164 = arith.constant 0 : i32
      %dma_wait3A_165 = tpu.memref_slice %arg10[%dma_wait3A_163, %dma_wait3A_164] : memref<1280x64xf32, #tpu.memory_space<vmem>> -> memref<128x64xf32, #tpu.memory_space<vmem>>
      %dma_wait3A_166 = arith.constant 1024 : i32
      %dma_wait3A_167 = tpu.memref_slice %arg8[%dma_wait3A_166] : memref<1280xi32, #tpu.memory_space<vmem>> -> memref<128xi32, #tpu.memory_space<vmem>>
      %dma_wait3A_168 = arith.constant 0 : i32
      %dma_wait3A_169 = arith.constant 0 : i32
      %dma_wait3A_170 = tpu.memref_slice %arg5[%dma_wait3A_168, %dma_wait3A_169] : memref<1000000x64xf32, #tpu.memory_space<hbm>> -> memref<1000000x64xf32, #tpu.memory_space<hbm>>
      tpu.wait_indirect_dma semaphore(%arg12 : memref<!tpu.dma_semaphore, #tpu.memory_space<semaphore_mem>>) src(%dma_wait3A_170 : memref<1000000x64xf32, #tpu.memory_space<hbm>>) dst(%dma_wait3A_165 : memref<128x64xf32, #tpu.memory_space<vmem>>)
      %dma_wait3A_171 = arith.constant 1152 : i32
      %dma_wait3A_172 = arith.constant 0 : i32
      %dma_wait3A_173 = tpu.memref_slice %arg10[%dma_wait3A_171, %dma_wait3A_172] : memref<1280x64xf32, #tpu.memory_space<vmem>> -> memref<128x64xf32, #tpu.memory_space<vmem>>
      %dma_wait3A_174 = arith.constant 1152 : i32
      %dma_wait3A_175 = tpu.memref_slice %arg8[%dma_wait3A_174] : memref<1280xi32, #tpu.memory_space<vmem>> -> memref<128xi32, #tpu.memory_space<vmem>>
      %dma_wait3A_176 = arith.constant 0 : i32
      %dma_wait3A_177 = arith.constant 0 : i32
      %dma_wait3A_178 = tpu.memref_slice %arg5[%dma_wait3A_176, %dma_wait3A_177] : memref<1000000x64xf32, #tpu.memory_space<hbm>> -> memref<1000000x64xf32, #tpu.memory_space<hbm>>
      tpu.wait_indirect_dma semaphore(%arg12 : memref<!tpu.dma_semaphore, #tpu.memory_space<semaphore_mem>>) src(%dma_wait3A_178 : memref<1000000x64xf32, #tpu.memory_space<hbm>>) dst(%dma_wait3A_173 : memref<128x64xf32, #tpu.memory_space<vmem>>)
      %scan3A_179 = arith.constant 0 : i32
      %scan3A_180 = arith.constant 0 : i32
      %scan3A_181 = arith.constant 32 : i32
      %scan3A_182 = arith.addi %scan3A_180, %scan3A_181 : i32
      %scan3A_183 = arith.constant 1 : i32
      scf.for %scan3A_185 = %scan3A_180 to %scan3A_182 step %scan3A_183  : i32 {
        %get3A = arith.index_cast %scan3A_185 : i32 to index
        %get3A_186 = arith.constant 0 : index
        %get3A_187 = tpu.vector_load %arg9[%get3A, %get3A_186] {strides = array<i32>} : memref<32x64xf32, #tpu.memory_space<vmem>>, vector<16xf32>,
        %get3A_188 = arith.index_cast %scan3A_185 : i32 to index
        %get3A_189 = arith.constant 16 : index
        %get3A_190 = tpu.vector_load %arg9[%get3A_188, %get3A_189] {strides = array<i32>} : memref<32x64xf32, #tpu.memory_space<vmem>>, vector<16xf32>,
        %get3A_191 = arith.index_cast %scan3A_185 : i32 to index
        %get3A_192 = arith.constant 32 : index
        %get3A_193 = tpu.vector_load %arg9[%get3A_191, %get3A_192] {strides = array<i32>} : memref<32x64xf32, #tpu.memory_space<vmem>>, vector<16xf32>,
        %get3A_194 = arith.index_cast %scan3A_185 : i32 to index
        %get3A_195 = arith.constant 48 : index
        %get3A_196 = tpu.vector_load %arg9[%get3A_194, %get3A_195] {strides = array<i32>} : memref<32x64xf32, #tpu.memory_space<vmem>>, vector<16xf32>,
        %mul3A_197 = arith.constant 40 : i32
        %mul3A_198 = arith.muli %scan3A_185, %mul3A_197 : i32
        %broadcast_in_dim3A = arith.constant 0.000000e+00 : f32
        %broadcast_in_dim3A_199 = vector.broadcast %broadcast_in_dim3A : f32 to vector<16xf32>
        %add3A_200 = arith.constant 0 : i32
        %add3A_201 = arith.addi %mul3A_198, %add3A_200 : i32
        %add3A_202 = arith.constant 0 : i32
        %add3A_203 = arith.addi %add3A_201, %add3A_202 : i32
        %get3A_204 = arith.index_cast %add3A_203 : i32 to index
        %get3A_205 = arith.constant 0 : index
        %get3A_206 = tpu.vector_load %arg10[%get3A_204, %get3A_205] {strides = array<i32>} : memref<1280x64xf32, #tpu.memory_space<vmem>>, vector<16xf32>,
        %mul3A_207 = arith.mulf %get3A_206, %get3A_187 : vector<16xf32>
        %get3A_208 = arith.index_cast %add3A_203 : i32 to index
        %get3A_209 = arith.constant 16 : index
        %get3A_210 = tpu.vector_load %arg10[%get3A_208, %get3A_209] {strides = array<i32>} : memref<1280x64xf32, #tpu.memory_space<vmem>>, vector<16xf32>,
        %mul3A_211 = arith.mulf %get3A_210, %get3A_190 : vector<16xf32>
        %add3A_212 = arith.addf %mul3A_207, %mul3A_211 : vector<16xf32>
        %get3A_213 = arith.index_cast %add3A_203 : i32 to index
        %get3A_214 = arith.constant 32 : index
        %get3A_215 = tpu.vector_load %arg10[%get3A_213, %get3A_214] {strides = array<i32>} : memref<1280x64xf32, #tpu.memory_space<vmem>>, vector<16xf32>,
        %mul3A_216 = arith.mulf %get3A_215, %get3A_193 : vector<16xf32>
        %add3A_217 = arith.addf %add3A_212, %mul3A_216 : vector<16xf32>
        %get3A_218 = arith.index_cast %add3A_203 : i32 to index
        %get3A_219 = arith.constant 48 : index
        %get3A_220 = tpu.vector_load %arg10[%get3A_218, %get3A_219] {strides = array<i32>} : memref<1280x64xf32, #tpu.memory_space<vmem>>, vector<16xf32>,
        %mul3A_221 = arith.mulf %get3A_220, %get3A_196 : vector<16xf32>
        %add3A_222 = arith.addf %add3A_217, %mul3A_221 : vector<16xf32>
        %eq3A = arith.constant 0 : i32
        %eq3A_223 = vector.broadcast %eq3A : i32 to vector<16xi32>
        %eq3A_224 = arith.cmpi eq, %iota3A, %eq3A_223 : vector<16xi32>
        %reduce_sum3A = arith.constant true
        %reduce_sum3A_225 = vector.broadcast %reduce_sum3A : i1 to vector<16xi1>
        %reduce_sum3A_226 = tpu.scan <sum>, %add3A_222 masked %reduce_sum3A_225 : vector<16xf32>, vector<16xi1> -> vector<16xf32>
        %reduce_sum3A_227 = vector.extract %reduce_sum3A_226[15] : f32 from vector<16xf32>
        %broadcast_in_dim3A_228 = vector.broadcast %reduce_sum3A_227 : f32 to vector<16xf32>
        %select_n3A = arith.select %eq3A_224, %broadcast_in_dim3A_228, %broadcast_in_dim3A_199 : vector<16xi1>, vector<16xf32>
        %add3A_229 = arith.constant 0 : i32
        %add3A_230 = arith.addi %mul3A_198, %add3A_229 : i32
        %add3A_231 = arith.constant 1 : i32
        %add3A_232 = arith.addi %add3A_230, %add3A_231 : i32
        %get3A_233 = arith.index_cast %add3A_232 : i32 to index
        %get3A_234 = arith.constant 0 : index
        %get3A_235 = tpu.vector_load %arg10[%get3A_233, %get3A_234] {strides = array<i32>} : memref<1280x64xf32, #tpu.memory_space<vmem>>, vector<16xf32>,
        %mul3A_236 = arith.mulf %get3A_235, %get3A_187 : vector<16xf32>
        %get3A_237 = arith.index_cast %add3A_232 : i32 to index
        %get3A_238 = arith.constant 16 : index
        %get3A_239 = tpu.vector_load %arg10[%get3A_237, %get3A_238] {strides = array<i32>} : memref<1280x64xf32, #tpu.memory_space<vmem>>, vector<16xf32>,
        %mul3A_240 = arith.mulf %get3A_239, %get3A_190 : vector<16xf32>
        %add3A_241 = arith.addf %mul3A_236, %mul3A_240 : vector<16xf32>
        %get3A_242 = arith.index_cast %add3A_232 : i32 to index
        %get3A_243 = arith.constant 32 : index
        %get3A_244 = tpu.vector_load %arg10[%get3A_242, %get3A_243] {strides = array<i32>} : memref<1280x64xf32, #tpu.memory_space<vmem>>, vector<16xf32>,
        %mul3A_245 = arith.mulf %get3A_244, %get3A_193 : vector<16xf32>
        %add3A_246 = arith.addf %add3A_241, %mul3A_245 : vector<16xf32>
        %get3A_247 = arith.index_cast %add3A_232 : i32 to index
        %get3A_248 = arith.constant 48 : index
        %get3A_249 = tpu.vector_load %arg10[%get3A_247, %get3A_248] {strides = array<i32>} : memref<1280x64xf32, #tpu.memory_space<vmem>>, vector<16xf32>,
        %mul3A_250 = arith.mulf %get3A_249, %get3A_196 : vector<16xf32>
        %add3A_251 = arith.addf %add3A_246, %mul3A_250 : vector<16xf32>
        %eq3A_252 = arith.constant 1 : i32
        %eq3A_253 = vector.broadcast %eq3A_252 : i32 to vector<16xi32>
        %eq3A_254 = arith.cmpi eq, %iota3A, %eq3A_253 : vector<16xi32>
        %reduce_sum3A_255 = arith.constant true
        %reduce_sum3A_256 = vector.broadcast %reduce_sum3A_255 : i1 to vector<16xi1>
        %reduce_sum3A_257 = tpu.scan <sum>, %add3A_251 masked %reduce_sum3A_256 : vector<16xf32>, vector<16xi1> -> vector<16xf32>
        %reduce_sum3A_258 = vector.extract %reduce_sum3A_257[15] : f32 from vector<16xf32>
        %broadcast_in_dim3A_259 = vector.broadcast %reduce_sum3A_258 : f32 to vector<16xf32>
        %select_n3A_260 = arith.select %eq3A_254, %broadcast_in_dim3A_259, %select_n3A : vector<16xi1>, vector<16xf32>
        %add3A_261 = arith.constant 0 : i32
        %add3A_262 = arith.addi %mul3A_198, %add3A_261 : i32
        %add3A_263 = arith.constant 2 : i32
        %add3A_264 = arith.addi %add3A_262, %add3A_263 : i32
        %get3A_265 = arith.index_cast %add3A_264 : i32 to index
        %get3A_266 = arith.constant 0 : index
        %get3A_267 = tpu.vector_load %arg10[%get3A_265, %get3A_266] {strides = array<i32>} : memref<1280x64xf32, #tpu.memory_space<vmem>>, vector<16xf32>,
        %mul3A_268 = arith.mulf %get3A_267, %get3A_187 : vector<16xf32>
        %get3A_269 = arith.index_cast %add3A_264 : i32 to index
        %get3A_270 = arith.constant 16 : index
        %get3A_271 = tpu.vector_load %arg10[%get3A_269, %get3A_270] {strides = array<i32>} : memref<1280x64xf32, #tpu.memory_space<vmem>>, vector<16xf32>,
        %mul3A_272 = arith.mulf %get3A_271, %get3A_190 : vector<16xf32>
        %add3A_273 = arith.addf %mul3A_268, %mul3A_272 : vector<16xf32>
        %get3A_274 = arith.index_cast %add3A_264 : i32 to index
        %get3A_275 = arith.constant 32 : index
        %get3A_276 = tpu.vector_load %arg10[%get3A_274, %get3A_275] {strides = array<i32>} : memref<1280x64xf32, #tpu.memory_space<vmem>>, vector<16xf32>,
        %mul3A_277 = arith.mulf %get3A_276, %get3A_193 : vector<16xf32>
        %add3A_278 = arith.addf %add3A_273, %mul3A_277 : vector<16xf32>
        %get3A_279 = arith.index_cast %add3A_264 : i32 to index
        %get3A_280 = arith.constant 48 : index
        %get3A_281 = tpu.vector_load %arg10[%get3A_279, %get3A_280] {strides = array<i32>} : memref<1280x64xf32, #tpu.memory_space<vmem>>, vector<16xf32>,
        %mul3A_282 = arith.mulf %get3A_281, %get3A_196 : vector<16xf32>
        %add3A_283 = arith.addf %add3A_278, %mul3A_282 : vector<16xf32>
        %eq3A_284 = arith.constant 2 : i32
        %eq3A_285 = vector.broadcast %eq3A_284 : i32 to vector<16xi32>
        %eq3A_286 = arith.cmpi eq, %iota3A, %eq3A_285 : vector<16xi32>
        %reduce_sum3A_287 = arith.constant true
        %reduce_sum3A_288 = vector.broadcast %reduce_sum3A_287 : i1 to vector<16xi1>
        %reduce_sum3A_289 = tpu.scan <sum>, %add3A_283 masked %reduce_sum3A_288 : vector<16xf32>, vector<16xi1> -> vector<16xf32>
        %reduce_sum3A_290 = vector.extract %reduce_sum3A_289[15] : f32 from vector<16xf32>
        %broadcast_in_dim3A_291 = vector.broadcast %reduce_sum3A_290 : f32 to vector<16xf32>
        %select_n3A_292 = arith.select %eq3A_286, %broadcast_in_dim3A_291, %select_n3A_260 : vector<16xi1>, vector<16xf32>
        %add3A_293 = arith.constant 0 : i32
        %add3A_294 = arith.addi %mul3A_198, %add3A_293 : i32
        %add3A_295 = arith.constant 3 : i32
        %add3A_296 = arith.addi %add3A_294, %add3A_295 : i32
        %get3A_297 = arith.index_cast %add3A_296 : i32 to index
        %get3A_298 = arith.constant 0 : index
        %get3A_299 = tpu.vector_load %arg10[%get3A_297, %get3A_298] {strides = array<i32>} : memref<1280x64xf32, #tpu.memory_space<vmem>>, vector<16xf32>,
        %mul3A_300 = arith.mulf %get3A_299, %get3A_187 : vector<16xf32>
        %get3A_301 = arith.index_cast %add3A_296 : i32 to index
        %get3A_302 = arith.constant 16 : index
        %get3A_303 = tpu.vector_load %arg10[%get3A_301, %get3A_302] {strides = array<i32>} : memref<1280x64xf32, #tpu.memory_space<vmem>>, vector<16xf32>,
        %mul3A_304 = arith.mulf %get3A_303, %get3A_190 : vector<16xf32>
        %add3A_305 = arith.addf %mul3A_300, %mul3A_304 : vector<16xf32>
        %get3A_306 = arith.index_cast %add3A_296 : i32 to index
        %get3A_307 = arith.constant 32 : index
        %get3A_308 = tpu.vector_load %arg10[%get3A_306, %get3A_307] {strides = array<i32>} : memref<1280x64xf32, #tpu.memory_space<vmem>>, vector<16xf32>,
        %mul3A_309 = arith.mulf %get3A_308, %get3A_193 : vector<16xf32>
        %add3A_310 = arith.addf %add3A_305, %mul3A_309 : vector<16xf32>
        %get3A_311 = arith.index_cast %add3A_296 : i32 to index
        %get3A_312 = arith.constant 48 : index
        %get3A_313 = tpu.vector_load %arg10[%get3A_311, %get3A_312] {strides = array<i32>} : memref<1280x64xf32, #tpu.memory_space<vmem>>, vector<16xf32>,
        %mul3A_314 = arith.mulf %get3A_313, %get3A_196 : vector<16xf32>
        %add3A_315 = arith.addf %add3A_310, %mul3A_314 : vector<16xf32>
        %eq3A_316 = arith.constant 3 : i32
        %eq3A_317 = vector.broadcast %eq3A_316 : i32 to vector<16xi32>
        %eq3A_318 = arith.cmpi eq, %iota3A, %eq3A_317 : vector<16xi32>
        %reduce_sum3A_319 = arith.constant true
        %reduce_sum3A_320 = vector.broadcast %reduce_sum3A_319 : i1 to vector<16xi1>
        %reduce_sum3A_321 = tpu.scan <sum>, %add3A_315 masked %reduce_sum3A_320 : vector<16xf32>, vector<16xi1> -> vector<16xf32>
        %reduce_sum3A_322 = vector.extract %reduce_sum3A_321[15] : f32 from vector<16xf32>
        %broadcast_in_dim3A_323 = vector.broadcast %reduce_sum3A_322 : f32 to vector<16xf32>
        %select_n3A_324 = arith.select %eq3A_318, %broadcast_in_dim3A_323, %select_n3A_292 : vector<16xi1>, vector<16xf32>
        %add3A_325 = arith.constant 0 : i32
        %add3A_326 = arith.addi %mul3A_198, %add3A_325 : i32
        %add3A_327 = arith.constant 4 : i32
        %add3A_328 = arith.addi %add3A_326, %add3A_327 : i32
        %get3A_329 = arith.index_cast %add3A_328 : i32 to index
        %get3A_330 = arith.constant 0 : index
        %get3A_331 = tpu.vector_load %arg10[%get3A_329, %get3A_330] {strides = array<i32>} : memref<1280x64xf32, #tpu.memory_space<vmem>>, vector<16xf32>,
        %mul3A_332 = arith.mulf %get3A_331, %get3A_187 : vector<16xf32>
        %get3A_333 = arith.index_cast %add3A_328 : i32 to index
        %get3A_334 = arith.constant 16 : index
        %get3A_335 = tpu.vector_load %arg10[%get3A_333, %get3A_334] {strides = array<i32>} : memref<1280x64xf32, #tpu.memory_space<vmem>>, vector<16xf32>,
        %mul3A_336 = arith.mulf %get3A_335, %get3A_190 : vector<16xf32>
        %add3A_337 = arith.addf %mul3A_332, %mul3A_336 : vector<16xf32>
        %get3A_338 = arith.index_cast %add3A_328 : i32 to index
        %get3A_339 = arith.constant 32 : index
        %get3A_340 = tpu.vector_load %arg10[%get3A_338, %get3A_339] {strides = array<i32>} : memref<1280x64xf32, #tpu.memory_space<vmem>>, vector<16xf32>,
        %mul3A_341 = arith.mulf %get3A_340, %get3A_193 : vector<16xf32>
        %add3A_342 = arith.addf %add3A_337, %mul3A_341 : vector<16xf32>
        %get3A_343 = arith.index_cast %add3A_328 : i32 to index
        %get3A_344 = arith.constant 48 : index
        %get3A_345 = tpu.vector_load %arg10[%get3A_343, %get3A_344] {strides = array<i32>} : memref<1280x64xf32, #tpu.memory_space<vmem>>, vector<16xf32>,
        %mul3A_346 = arith.mulf %get3A_345, %get3A_196 : vector<16xf32>
        %add3A_347 = arith.addf %add3A_342, %mul3A_346 : vector<16xf32>
        %eq3A_348 = arith.constant 4 : i32
        %eq3A_349 = vector.broadcast %eq3A_348 : i32 to vector<16xi32>
        %eq3A_350 = arith.cmpi eq, %iota3A, %eq3A_349 : vector<16xi32>
        %reduce_sum3A_351 = arith.constant true
        %reduce_sum3A_352 = vector.broadcast %reduce_sum3A_351 : i1 to vector<16xi1>
        %reduce_sum3A_353 = tpu.scan <sum>, %add3A_347 masked %reduce_sum3A_352 : vector<16xf32>, vector<16xi1> -> vector<16xf32>
        %reduce_sum3A_354 = vector.extract %reduce_sum3A_353[15] : f32 from vector<16xf32>
        %broadcast_in_dim3A_355 = vector.broadcast %reduce_sum3A_354 : f32 to vector<16xf32>
        %select_n3A_356 = arith.select %eq3A_350, %broadcast_in_dim3A_355, %select_n3A_324 : vector<16xi1>, vector<16xf32>
        %add3A_357 = arith.constant 0 : i32
        %add3A_358 = arith.addi %mul3A_198, %add3A_357 : i32
        %add3A_359 = arith.constant 5 : i32
        %add3A_360 = arith.addi %add3A_358, %add3A_359 : i32
        %get3A_361 = arith.index_cast %add3A_360 : i32 to index
        %get3A_362 = arith.constant 0 : index
        %get3A_363 = tpu.vector_load %arg10[%get3A_361, %get3A_362] {strides = array<i32>} : memref<1280x64xf32, #tpu.memory_space<vmem>>, vector<16xf32>,
        %mul3A_364 = arith.mulf %get3A_363, %get3A_187 : vector<16xf32>
        %get3A_365 = arith.index_cast %add3A_360 : i32 to index
        %get3A_366 = arith.constant 16 : index
        %get3A_367 = tpu.vector_load %arg10[%get3A_365, %get3A_366] {strides = array<i32>} : memref<1280x64xf32, #tpu.memory_space<vmem>>, vector<16xf32>,
        %mul3A_368 = arith.mulf %get3A_367, %get3A_190 : vector<16xf32>
        %add3A_369 = arith.addf %mul3A_364, %mul3A_368 : vector<16xf32>
        %get3A_370 = arith.index_cast %add3A_360 : i32 to index
        %get3A_371 = arith.constant 32 : index
        %get3A_372 = tpu.vector_load %arg10[%get3A_370, %get3A_371] {strides = array<i32>} : memref<1280x64xf32, #tpu.memory_space<vmem>>, vector<16xf32>,
        %mul3A_373 = arith.mulf %get3A_372, %get3A_193 : vector<16xf32>
        %add3A_374 = arith.addf %add3A_369, %mul3A_373 : vector<16xf32>
        %get3A_375 = arith.index_cast %add3A_360 : i32 to index
        %get3A_376 = arith.constant 48 : index
        %get3A_377 = tpu.vector_load %arg10[%get3A_375, %get3A_376] {strides = array<i32>} : memref<1280x64xf32, #tpu.memory_space<vmem>>, vector<16xf32>,
        %mul3A_378 = arith.mulf %get3A_377, %get3A_196 : vector<16xf32>
        %add3A_379 = arith.addf %add3A_374, %mul3A_378 : vector<16xf32>
        %eq3A_380 = arith.constant 5 : i32
        %eq3A_381 = vector.broadcast %eq3A_380 : i32 to vector<16xi32>
        %eq3A_382 = arith.cmpi eq, %iota3A, %eq3A_381 : vector<16xi32>
        %reduce_sum3A_383 = arith.constant true
        %reduce_sum3A_384 = vector.broadcast %reduce_sum3A_383 : i1 to vector<16xi1>
        %reduce_sum3A_385 = tpu.scan <sum>, %add3A_379 masked %reduce_sum3A_384 : vector<16xf32>, vector<16xi1> -> vector<16xf32>
        %reduce_sum3A_386 = vector.extract %reduce_sum3A_385[15] : f32 from vector<16xf32>
        %broadcast_in_dim3A_387 = vector.broadcast %reduce_sum3A_386 : f32 to vector<16xf32>
        %select_n3A_388 = arith.select %eq3A_382, %broadcast_in_dim3A_387, %select_n3A_356 : vector<16xi1>, vector<16xf32>
        %add3A_389 = arith.constant 0 : i32
        %add3A_390 = arith.addi %mul3A_198, %add3A_389 : i32
        %add3A_391 = arith.constant 6 : i32
        %add3A_392 = arith.addi %add3A_390, %add3A_391 : i32
        %get3A_393 = arith.index_cast %add3A_392 : i32 to index
        %get3A_394 = arith.constant 0 : index
        %get3A_395 = tpu.vector_load %arg10[%get3A_393, %get3A_394] {strides = array<i32>} : memref<1280x64xf32, #tpu.memory_space<vmem>>, vector<16xf32>,
        %mul3A_396 = arith.mulf %get3A_395, %get3A_187 : vector<16xf32>
        %get3A_397 = arith.index_cast %add3A_392 : i32 to index
        %get3A_398 = arith.constant 16 : index
        %get3A_399 = tpu.vector_load %arg10[%get3A_397, %get3A_398] {strides = array<i32>} : memref<1280x64xf32, #tpu.memory_space<vmem>>, vector<16xf32>,
        %mul3A_400 = arith.mulf %get3A_399, %get3A_190 : vector<16xf32>
        %add3A_401 = arith.addf %mul3A_396, %mul3A_400 : vector<16xf32>
        %get3A_402 = arith.index_cast %add3A_392 : i32 to index
        %get3A_403 = arith.constant 32 : index
        %get3A_404 = tpu.vector_load %arg10[%get3A_402, %get3A_403] {strides = array<i32>} : memref<1280x64xf32, #tpu.memory_space<vmem>>, vector<16xf32>,
        %mul3A_405 = arith.mulf %get3A_404, %get3A_193 : vector<16xf32>
        %add3A_406 = arith.addf %add3A_401, %mul3A_405 : vector<16xf32>
        %get3A_407 = arith.index_cast %add3A_392 : i32 to index
        %get3A_408 = arith.constant 48 : index
        %get3A_409 = tpu.vector_load %arg10[%get3A_407, %get3A_408] {strides = array<i32>} : memref<1280x64xf32, #tpu.memory_space<vmem>>, vector<16xf32>,
        %mul3A_410 = arith.mulf %get3A_409, %get3A_196 : vector<16xf32>
        %add3A_411 = arith.addf %add3A_406, %mul3A_410 : vector<16xf32>
        %eq3A_412 = arith.constant 6 : i32
        %eq3A_413 = vector.broadcast %eq3A_412 : i32 to vector<16xi32>
        %eq3A_414 = arith.cmpi eq, %iota3A, %eq3A_413 : vector<16xi32>
        %reduce_sum3A_415 = arith.constant true
        %reduce_sum3A_416 = vector.broadcast %reduce_sum3A_415 : i1 to vector<16xi1>
        %reduce_sum3A_417 = tpu.scan <sum>, %add3A_411 masked %reduce_sum3A_416 : vector<16xf32>, vector<16xi1> -> vector<16xf32>
        %reduce_sum3A_418 = vector.extract %reduce_sum3A_417[15] : f32 from vector<16xf32>
        %broadcast_in_dim3A_419 = vector.broadcast %reduce_sum3A_418 : f32 to vector<16xf32>
        %select_n3A_420 = arith.select %eq3A_414, %broadcast_in_dim3A_419, %select_n3A_388 : vector<16xi1>, vector<16xf32>
        %add3A_421 = arith.constant 0 : i32
        %add3A_422 = arith.addi %mul3A_198, %add3A_421 : i32
        %add3A_423 = arith.constant 7 : i32
        %add3A_424 = arith.addi %add3A_422, %add3A_423 : i32
        %get3A_425 = arith.index_cast %add3A_424 : i32 to index
        %get3A_426 = arith.constant 0 : index
        %get3A_427 = tpu.vector_load %arg10[%get3A_425, %get3A_426] {strides = array<i32>} : memref<1280x64xf32, #tpu.memory_space<vmem>>, vector<16xf32>,
        %mul3A_428 = arith.mulf %get3A_427, %get3A_187 : vector<16xf32>
        %get3A_429 = arith.index_cast %add3A_424 : i32 to index
        %get3A_430 = arith.constant 16 : index
        %get3A_431 = tpu.vector_load %arg10[%get3A_429, %get3A_430] {strides = array<i32>} : memref<1280x64xf32, #tpu.memory_space<vmem>>, vector<16xf32>,
        %mul3A_432 = arith.mulf %get3A_431, %get3A_190 : vector<16xf32>
        %add3A_433 = arith.addf %mul3A_428, %mul3A_432 : vector<16xf32>
        %get3A_434 = arith.index_cast %add3A_424 : i32 to index
        %get3A_435 = arith.constant 32 : index
        %get3A_436 = tpu.vector_load %arg10[%get3A_434, %get3A_435] {strides = array<i32>} : memref<1280x64xf32, #tpu.memory_space<vmem>>, vector<16xf32>,
        %mul3A_437 = arith.mulf %get3A_436, %get3A_193 : vector<16xf32>
        %add3A_438 = arith.addf %add3A_433, %mul3A_437 : vector<16xf32>
        %get3A_439 = arith.index_cast %add3A_424 : i32 to index
        %get3A_440 = arith.constant 48 : index
        %get3A_441 = tpu.vector_load %arg10[%get3A_439, %get3A_440] {strides = array<i32>} : memref<1280x64xf32, #tpu.memory_space<vmem>>, vector<16xf32>,
        %mul3A_442 = arith.mulf %get3A_441, %get3A_196 : vector<16xf32>
        %add3A_443 = arith.addf %add3A_438, %mul3A_442 : vector<16xf32>
        %eq3A_444 = arith.constant 7 : i32
        %eq3A_445 = vector.broadcast %eq3A_444 : i32 to vector<16xi32>
        %eq3A_446 = arith.cmpi eq, %iota3A, %eq3A_445 : vector<16xi32>
        %reduce_sum3A_447 = arith.constant true
        %reduce_sum3A_448 = vector.broadcast %reduce_sum3A_447 : i1 to vector<16xi1>
        %reduce_sum3A_449 = tpu.scan <sum>, %add3A_443 masked %reduce_sum3A_448 : vector<16xf32>, vector<16xi1> -> vector<16xf32>
        %reduce_sum3A_450 = vector.extract %reduce_sum3A_449[15] : f32 from vector<16xf32>
        %broadcast_in_dim3A_451 = vector.broadcast %reduce_sum3A_450 : f32 to vector<16xf32>
        %select_n3A_452 = arith.select %eq3A_446, %broadcast_in_dim3A_451, %select_n3A_420 : vector<16xi1>, vector<16xf32>
        %add3A_453 = arith.constant 0 : i32
        %add3A_454 = arith.addi %mul3A_198, %add3A_453 : i32
        %add3A_455 = arith.constant 8 : i32
        %add3A_456 = arith.addi %add3A_454, %add3A_455 : i32
        %get3A_457 = arith.index_cast %add3A_456 : i32 to index
        %get3A_458 = arith.constant 0 : index
        %get3A_459 = tpu.vector_load %arg10[%get3A_457, %get3A_458] {strides = array<i32>} : memref<1280x64xf32, #tpu.memory_space<vmem>>, vector<16xf32>,
        %mul3A_460 = arith.mulf %get3A_459, %get3A_187 : vector<16xf32>
        %get3A_461 = arith.index_cast %add3A_456 : i32 to index
        %get3A_462 = arith.constant 16 : index
        %get3A_463 = tpu.vector_load %arg10[%get3A_461, %get3A_462] {strides = array<i32>} : memref<1280x64xf32, #tpu.memory_space<vmem>>, vector<16xf32>,
        %mul3A_464 = arith.mulf %get3A_463, %get3A_190 : vector<16xf32>
        %add3A_465 = arith.addf %mul3A_460, %mul3A_464 : vector<16xf32>
        %get3A_466 = arith.index_cast %add3A_456 : i32 to index
        %get3A_467 = arith.constant 32 : index
        %get3A_468 = tpu.vector_load %arg10[%get3A_466, %get3A_467] {strides = array<i32>} : memref<1280x64xf32, #tpu.memory_space<vmem>>, vector<16xf32>,
        %mul3A_469 = arith.mulf %get3A_468, %get3A_193 : vector<16xf32>
        %add3A_470 = arith.addf %add3A_465, %mul3A_469 : vector<16xf32>
        %get3A_471 = arith.index_cast %add3A_456 : i32 to index
        %get3A_472 = arith.constant 48 : index
        %get3A_473 = tpu.vector_load %arg10[%get3A_471, %get3A_472] {strides = array<i32>} : memref<1280x64xf32, #tpu.memory_space<vmem>>, vector<16xf32>,
        %mul3A_474 = arith.mulf %get3A_473, %get3A_196 : vector<16xf32>
        %add3A_475 = arith.addf %add3A_470, %mul3A_474 : vector<16xf32>
        %eq3A_476 = arith.constant 8 : i32
        %eq3A_477 = vector.broadcast %eq3A_476 : i32 to vector<16xi32>
        %eq3A_478 = arith.cmpi eq, %iota3A, %eq3A_477 : vector<16xi32>
        %reduce_sum3A_479 = arith.constant true
        %reduce_sum3A_480 = vector.broadcast %reduce_sum3A_479 : i1 to vector<16xi1>
        %reduce_sum3A_481 = tpu.scan <sum>, %add3A_475 masked %reduce_sum3A_480 : vector<16xf32>, vector<16xi1> -> vector<16xf32>
        %reduce_sum3A_482 = vector.extract %reduce_sum3A_481[15] : f32 from vector<16xf32>
        %broadcast_in_dim3A_483 = vector.broadcast %reduce_sum3A_482 : f32 to vector<16xf32>
        %select_n3A_484 = arith.select %eq3A_478, %broadcast_in_dim3A_483, %select_n3A_452 : vector<16xi1>, vector<16xf32>
        %add3A_485 = arith.constant 0 : i32
        %add3A_486 = arith.addi %mul3A_198, %add3A_485 : i32
        %add3A_487 = arith.constant 9 : i32
        %add3A_488 = arith.addi %add3A_486, %add3A_487 : i32
        %get3A_489 = arith.index_cast %add3A_488 : i32 to index
        %get3A_490 = arith.constant 0 : index
        %get3A_491 = tpu.vector_load %arg10[%get3A_489, %get3A_490] {strides = array<i32>} : memref<1280x64xf32, #tpu.memory_space<vmem>>, vector<16xf32>,
        %mul3A_492 = arith.mulf %get3A_491, %get3A_187 : vector<16xf32>
        %get3A_493 = arith.index_cast %add3A_488 : i32 to index
        %get3A_494 = arith.constant 16 : index
        %get3A_495 = tpu.vector_load %arg10[%get3A_493, %get3A_494] {strides = array<i32>} : memref<1280x64xf32, #tpu.memory_space<vmem>>, vector<16xf32>,
        %mul3A_496 = arith.mulf %get3A_495, %get3A_190 : vector<16xf32>
        %add3A_497 = arith.addf %mul3A_492, %mul3A_496 : vector<16xf32>
        %get3A_498 = arith.index_cast %add3A_488 : i32 to index
        %get3A_499 = arith.constant 32 : index
        %get3A_500 = tpu.vector_load %arg10[%get3A_498, %get3A_499] {strides = array<i32>} : memref<1280x64xf32, #tpu.memory_space<vmem>>, vector<16xf32>,
        %mul3A_501 = arith.mulf %get3A_500, %get3A_193 : vector<16xf32>
        %add3A_502 = arith.addf %add3A_497, %mul3A_501 : vector<16xf32>
        %get3A_503 = arith.index_cast %add3A_488 : i32 to index
        %get3A_504 = arith.constant 48 : index
        %get3A_505 = tpu.vector_load %arg10[%get3A_503, %get3A_504] {strides = array<i32>} : memref<1280x64xf32, #tpu.memory_space<vmem>>, vector<16xf32>,
        %mul3A_506 = arith.mulf %get3A_505, %get3A_196 : vector<16xf32>
        %add3A_507 = arith.addf %add3A_502, %mul3A_506 : vector<16xf32>
        %eq3A_508 = arith.constant 9 : i32
        %eq3A_509 = vector.broadcast %eq3A_508 : i32 to vector<16xi32>
        %eq3A_510 = arith.cmpi eq, %iota3A, %eq3A_509 : vector<16xi32>
        %reduce_sum3A_511 = arith.constant true
        %reduce_sum3A_512 = vector.broadcast %reduce_sum3A_511 : i1 to vector<16xi1>
        %reduce_sum3A_513 = tpu.scan <sum>, %add3A_507 masked %reduce_sum3A_512 : vector<16xf32>, vector<16xi1> -> vector<16xf32>
        %reduce_sum3A_514 = vector.extract %reduce_sum3A_513[15] : f32 from vector<16xf32>
        %broadcast_in_dim3A_515 = vector.broadcast %reduce_sum3A_514 : f32 to vector<16xf32>
        %select_n3A_516 = arith.select %eq3A_510, %broadcast_in_dim3A_515, %select_n3A_484 : vector<16xi1>, vector<16xf32>
        %add3A_517 = arith.constant 0 : i32
        %add3A_518 = arith.addi %mul3A_198, %add3A_517 : i32
        %add3A_519 = arith.constant 10 : i32
        %add3A_520 = arith.addi %add3A_518, %add3A_519 : i32
        %get3A_521 = arith.index_cast %add3A_520 : i32 to index
        %get3A_522 = arith.constant 0 : index
        %get3A_523 = tpu.vector_load %arg10[%get3A_521, %get3A_522] {strides = array<i32>} : memref<1280x64xf32, #tpu.memory_space<vmem>>, vector<16xf32>,
        %mul3A_524 = arith.mulf %get3A_523, %get3A_187 : vector<16xf32>
        %get3A_525 = arith.index_cast %add3A_520 : i32 to index
        %get3A_526 = arith.constant 16 : index
        %get3A_527 = tpu.vector_load %arg10[%get3A_525, %get3A_526] {strides = array<i32>} : memref<1280x64xf32, #tpu.memory_space<vmem>>, vector<16xf32>,
        %mul3A_528 = arith.mulf %get3A_527, %get3A_190 : vector<16xf32>
        %add3A_529 = arith.addf %mul3A_524, %mul3A_528 : vector<16xf32>
        %get3A_530 = arith.index_cast %add3A_520 : i32 to index
        %get3A_531 = arith.constant 32 : index
        %get3A_532 = tpu.vector_load %arg10[%get3A_530, %get3A_531] {strides = array<i32>} : memref<1280x64xf32, #tpu.memory_space<vmem>>, vector<16xf32>,
        %mul3A_533 = arith.mulf %get3A_532, %get3A_193 : vector<16xf32>
        %add3A_534 = arith.addf %add3A_529, %mul3A_533 : vector<16xf32>
        %get3A_535 = arith.index_cast %add3A_520 : i32 to index
        %get3A_536 = arith.constant 48 : index
        %get3A_537 = tpu.vector_load %arg10[%get3A_535, %get3A_536] {strides = array<i32>} : memref<1280x64xf32, #tpu.memory_space<vmem>>, vector<16xf32>,
        %mul3A_538 = arith.mulf %get3A_537, %get3A_196 : vector<16xf32>
        %add3A_539 = arith.addf %add3A_534, %mul3A_538 : vector<16xf32>
        %eq3A_540 = arith.constant 10 : i32
        %eq3A_541 = vector.broadcast %eq3A_540 : i32 to vector<16xi32>
        %eq3A_542 = arith.cmpi eq, %iota3A, %eq3A_541 : vector<16xi32>
        %reduce_sum3A_543 = arith.constant true
        %reduce_sum3A_544 = vector.broadcast %reduce_sum3A_543 : i1 to vector<16xi1>
        %reduce_sum3A_545 = tpu.scan <sum>, %add3A_539 masked %reduce_sum3A_544 : vector<16xf32>, vector<16xi1> -> vector<16xf32>
        %reduce_sum3A_546 = vector.extract %reduce_sum3A_545[15] : f32 from vector<16xf32>
        %broadcast_in_dim3A_547 = vector.broadcast %reduce_sum3A_546 : f32 to vector<16xf32>
        %select_n3A_548 = arith.select %eq3A_542, %broadcast_in_dim3A_547, %select_n3A_516 : vector<16xi1>, vector<16xf32>
        %add3A_549 = arith.constant 0 : i32
        %add3A_550 = arith.addi %mul3A_198, %add3A_549 : i32
        %add3A_551 = arith.constant 11 : i32
        %add3A_552 = arith.addi %add3A_550, %add3A_551 : i32
        %get3A_553 = arith.index_cast %add3A_552 : i32 to index
        %get3A_554 = arith.constant 0 : index
        %get3A_555 = tpu.vector_load %arg10[%get3A_553, %get3A_554] {strides = array<i32>} : memref<1280x64xf32, #tpu.memory_space<vmem>>, vector<16xf32>,
        %mul3A_556 = arith.mulf %get3A_555, %get3A_187 : vector<16xf32>
        %get3A_557 = arith.index_cast %add3A_552 : i32 to index
        %get3A_558 = arith.constant 16 : index
        %get3A_559 = tpu.vector_load %arg10[%get3A_557, %get3A_558] {strides = array<i32>} : memref<1280x64xf32, #tpu.memory_space<vmem>>, vector<16xf32>,
        %mul3A_560 = arith.mulf %get3A_559, %get3A_190 : vector<16xf32>
        %add3A_561 = arith.addf %mul3A_556, %mul3A_560 : vector<16xf32>
        %get3A_562 = arith.index_cast %add3A_552 : i32 to index
        %get3A_563 = arith.constant 32 : index
        %get3A_564 = tpu.vector_load %arg10[%get3A_562, %get3A_563] {strides = array<i32>} : memref<1280x64xf32, #tpu.memory_space<vmem>>, vector<16xf32>,
        %mul3A_565 = arith.mulf %get3A_564, %get3A_193 : vector<16xf32>
        %add3A_566 = arith.addf %add3A_561, %mul3A_565 : vector<16xf32>
        %get3A_567 = arith.index_cast %add3A_552 : i32 to index
        %get3A_568 = arith.constant 48 : index
        %get3A_569 = tpu.vector_load %arg10[%get3A_567, %get3A_568] {strides = array<i32>} : memref<1280x64xf32, #tpu.memory_space<vmem>>, vector<16xf32>,
        %mul3A_570 = arith.mulf %get3A_569, %get3A_196 : vector<16xf32>
        %add3A_571 = arith.addf %add3A_566, %mul3A_570 : vector<16xf32>
        %eq3A_572 = arith.constant 11 : i32
        %eq3A_573 = vector.broadcast %eq3A_572 : i32 to vector<16xi32>
        %eq3A_574 = arith.cmpi eq, %iota3A, %eq3A_573 : vector<16xi32>
        %reduce_sum3A_575 = arith.constant true
        %reduce_sum3A_576 = vector.broadcast %reduce_sum3A_575 : i1 to vector<16xi1>
        %reduce_sum3A_577 = tpu.scan <sum>, %add3A_571 masked %reduce_sum3A_576 : vector<16xf32>, vector<16xi1> -> vector<16xf32>
        %reduce_sum3A_578 = vector.extract %reduce_sum3A_577[15] : f32 from vector<16xf32>
        %broadcast_in_dim3A_579 = vector.broadcast %reduce_sum3A_578 : f32 to vector<16xf32>
        %select_n3A_580 = arith.select %eq3A_574, %broadcast_in_dim3A_579, %select_n3A_548 : vector<16xi1>, vector<16xf32>
        %add3A_581 = arith.constant 0 : i32
        %add3A_582 = arith.addi %mul3A_198, %add3A_581 : i32
        %add3A_583 = arith.constant 12 : i32
        %add3A_584 = arith.addi %add3A_582, %add3A_583 : i32
        %get3A_585 = arith.index_cast %add3A_584 : i32 to index
        %get3A_586 = arith.constant 0 : index
        %get3A_587 = tpu.vector_load %arg10[%get3A_585, %get3A_586] {strides = array<i32>} : memref<1280x64xf32, #tpu.memory_space<vmem>>, vector<16xf32>,
        %mul3A_588 = arith.mulf %get3A_587, %get3A_187 : vector<16xf32>
        %get3A_589 = arith.index_cast %add3A_584 : i32 to index
        %get3A_590 = arith.constant 16 : index
        %get3A_591 = tpu.vector_load %arg10[%get3A_589, %get3A_590] {strides = array<i32>} : memref<1280x64xf32, #tpu.memory_space<vmem>>, vector<16xf32>,
        %mul3A_592 = arith.mulf %get3A_591, %get3A_190 : vector<16xf32>
        %add3A_593 = arith.addf %mul3A_588, %mul3A_592 : vector<16xf32>
        %get3A_594 = arith.index_cast %add3A_584 : i32 to index
        %get3A_595 = arith.constant 32 : index
        %get3A_596 = tpu.vector_load %arg10[%get3A_594, %get3A_595] {strides = array<i32>} : memref<1280x64xf32, #tpu.memory_space<vmem>>, vector<16xf32>,
        %mul3A_597 = arith.mulf %get3A_596, %get3A_193 : vector<16xf32>
        %add3A_598 = arith.addf %add3A_593, %mul3A_597 : vector<16xf32>
        %get3A_599 = arith.index_cast %add3A_584 : i32 to index
        %get3A_600 = arith.constant 48 : index
        %get3A_601 = tpu.vector_load %arg10[%get3A_599, %get3A_600] {strides = array<i32>} : memref<1280x64xf32, #tpu.memory_space<vmem>>, vector<16xf32>,
        %mul3A_602 = arith.mulf %get3A_601, %get3A_196 : vector<16xf32>
        %add3A_603 = arith.addf %add3A_598, %mul3A_602 : vector<16xf32>
        %eq3A_604 = arith.constant 12 : i32
        %eq3A_605 = vector.broadcast %eq3A_604 : i32 to vector<16xi32>
        %eq3A_606 = arith.cmpi eq, %iota3A, %eq3A_605 : vector<16xi32>
        %reduce_sum3A_607 = arith.constant true
        %reduce_sum3A_608 = vector.broadcast %reduce_sum3A_607 : i1 to vector<16xi1>
        %reduce_sum3A_609 = tpu.scan <sum>, %add3A_603 masked %reduce_sum3A_608 : vector<16xf32>, vector<16xi1> -> vector<16xf32>
        %reduce_sum3A_610 = vector.extract %reduce_sum3A_609[15] : f32 from vector<16xf32>
        %broadcast_in_dim3A_611 = vector.broadcast %reduce_sum3A_610 : f32 to vector<16xf32>
        %select_n3A_612 = arith.select %eq3A_606, %broadcast_in_dim3A_611, %select_n3A_580 : vector<16xi1>, vector<16xf32>
        %add3A_613 = arith.constant 0 : i32
        %add3A_614 = arith.addi %mul3A_198, %add3A_613 : i32
        %add3A_615 = arith.constant 13 : i32
        %add3A_616 = arith.addi %add3A_614, %add3A_615 : i32
        %get3A_617 = arith.index_cast %add3A_616 : i32 to index
        %get3A_618 = arith.constant 0 : index
        %get3A_619 = tpu.vector_load %arg10[%get3A_617, %get3A_618] {strides = array<i32>} : memref<1280x64xf32, #tpu.memory_space<vmem>>, vector<16xf32>,
        %mul3A_620 = arith.mulf %get3A_619, %get3A_187 : vector<16xf32>
        %get3A_621 = arith.index_cast %add3A_616 : i32 to index
        %get3A_622 = arith.constant 16 : index
        %get3A_623 = tpu.vector_load %arg10[%get3A_621, %get3A_622] {strides = array<i32>} : memref<1280x64xf32, #tpu.memory_space<vmem>>, vector<16xf32>,
        %mul3A_624 = arith.mulf %get3A_623, %get3A_190 : vector<16xf32>
        %add3A_625 = arith.addf %mul3A_620, %mul3A_624 : vector<16xf32>
        %get3A_626 = arith.index_cast %add3A_616 : i32 to index
        %get3A_627 = arith.constant 32 : index
        %get3A_628 = tpu.vector_load %arg10[%get3A_626, %get3A_627] {strides = array<i32>} : memref<1280x64xf32, #tpu.memory_space<vmem>>, vector<16xf32>,
        %mul3A_629 = arith.mulf %get3A_628, %get3A_193 : vector<16xf32>
        %add3A_630 = arith.addf %add3A_625, %mul3A_629 : vector<16xf32>
        %get3A_631 = arith.index_cast %add3A_616 : i32 to index
        %get3A_632 = arith.constant 48 : index
        %get3A_633 = tpu.vector_load %arg10[%get3A_631, %get3A_632] {strides = array<i32>} : memref<1280x64xf32, #tpu.memory_space<vmem>>, vector<16xf32>,
        %mul3A_634 = arith.mulf %get3A_633, %get3A_196 : vector<16xf32>
        %add3A_635 = arith.addf %add3A_630, %mul3A_634 : vector<16xf32>
        %eq3A_636 = arith.constant 13 : i32
        %eq3A_637 = vector.broadcast %eq3A_636 : i32 to vector<16xi32>
        %eq3A_638 = arith.cmpi eq, %iota3A, %eq3A_637 : vector<16xi32>
        %reduce_sum3A_639 = arith.constant true
        %reduce_sum3A_640 = vector.broadcast %reduce_sum3A_639 : i1 to vector<16xi1>
        %reduce_sum3A_641 = tpu.scan <sum>, %add3A_635 masked %reduce_sum3A_640 : vector<16xf32>, vector<16xi1> -> vector<16xf32>
        %reduce_sum3A_642 = vector.extract %reduce_sum3A_641[15] : f32 from vector<16xf32>
        %broadcast_in_dim3A_643 = vector.broadcast %reduce_sum3A_642 : f32 to vector<16xf32>
        %select_n3A_644 = arith.select %eq3A_638, %broadcast_in_dim3A_643, %select_n3A_612 : vector<16xi1>, vector<16xf32>
        %add3A_645 = arith.constant 0 : i32
        %add3A_646 = arith.addi %mul3A_198, %add3A_645 : i32
        %add3A_647 = arith.constant 14 : i32
        %add3A_648 = arith.addi %add3A_646, %add3A_647 : i32
        %get3A_649 = arith.index_cast %add3A_648 : i32 to index
        %get3A_650 = arith.constant 0 : index
        %get3A_651 = tpu.vector_load %arg10[%get3A_649, %get3A_650] {strides = array<i32>} : memref<1280x64xf32, #tpu.memory_space<vmem>>, vector<16xf32>,
        %mul3A_652 = arith.mulf %get3A_651, %get3A_187 : vector<16xf32>
        %get3A_653 = arith.index_cast %add3A_648 : i32 to index
        %get3A_654 = arith.constant 16 : index
        %get3A_655 = tpu.vector_load %arg10[%get3A_653, %get3A_654] {strides = array<i32>} : memref<1280x64xf32, #tpu.memory_space<vmem>>, vector<16xf32>,
        %mul3A_656 = arith.mulf %get3A_655, %get3A_190 : vector<16xf32>
        %add3A_657 = arith.addf %mul3A_652, %mul3A_656 : vector<16xf32>
        %get3A_658 = arith.index_cast %add3A_648 : i32 to index
        %get3A_659 = arith.constant 32 : index
        %get3A_660 = tpu.vector_load %arg10[%get3A_658, %get3A_659] {strides = array<i32>} : memref<1280x64xf32, #tpu.memory_space<vmem>>, vector<16xf32>,
        %mul3A_661 = arith.mulf %get3A_660, %get3A_193 : vector<16xf32>
        %add3A_662 = arith.addf %add3A_657, %mul3A_661 : vector<16xf32>
        %get3A_663 = arith.index_cast %add3A_648 : i32 to index
        %get3A_664 = arith.constant 48 : index
        %get3A_665 = tpu.vector_load %arg10[%get3A_663, %get3A_664] {strides = array<i32>} : memref<1280x64xf32, #tpu.memory_space<vmem>>, vector<16xf32>,
        %mul3A_666 = arith.mulf %get3A_665, %get3A_196 : vector<16xf32>
        %add3A_667 = arith.addf %add3A_662, %mul3A_666 : vector<16xf32>
        %eq3A_668 = arith.constant 14 : i32
        %eq3A_669 = vector.broadcast %eq3A_668 : i32 to vector<16xi32>
        %eq3A_670 = arith.cmpi eq, %iota3A, %eq3A_669 : vector<16xi32>
        %reduce_sum3A_671 = arith.constant true
        %reduce_sum3A_672 = vector.broadcast %reduce_sum3A_671 : i1 to vector<16xi1>
        %reduce_sum3A_673 = tpu.scan <sum>, %add3A_667 masked %reduce_sum3A_672 : vector<16xf32>, vector<16xi1> -> vector<16xf32>
        %reduce_sum3A_674 = vector.extract %reduce_sum3A_673[15] : f32 from vector<16xf32>
        %broadcast_in_dim3A_675 = vector.broadcast %reduce_sum3A_674 : f32 to vector<16xf32>
        %select_n3A_676 = arith.select %eq3A_670, %broadcast_in_dim3A_675, %select_n3A_644 : vector<16xi1>, vector<16xf32>
        %add3A_677 = arith.constant 0 : i32
        %add3A_678 = arith.addi %mul3A_198, %add3A_677 : i32
        %add3A_679 = arith.constant 15 : i32
        %add3A_680 = arith.addi %add3A_678, %add3A_679 : i32
        %get3A_681 = arith.index_cast %add3A_680 : i32 to index
        %get3A_682 = arith.constant 0 : index
        %get3A_683 = tpu.vector_load %arg10[%get3A_681, %get3A_682] {strides = array<i32>} : memref<1280x64xf32, #tpu.memory_space<vmem>>, vector<16xf32>,
        %mul3A_684 = arith.mulf %get3A_683, %get3A_187 : vector<16xf32>
        %get3A_685 = arith.index_cast %add3A_680 : i32 to index
        %get3A_686 = arith.constant 16 : index
        %get3A_687 = tpu.vector_load %arg10[%get3A_685, %get3A_686] {strides = array<i32>} : memref<1280x64xf32, #tpu.memory_space<vmem>>, vector<16xf32>,
        %mul3A_688 = arith.mulf %get3A_687, %get3A_190 : vector<16xf32>
        %add3A_689 = arith.addf %mul3A_684, %mul3A_688 : vector<16xf32>
        %get3A_690 = arith.index_cast %add3A_680 : i32 to index
        %get3A_691 = arith.constant 32 : index
        %get3A_692 = tpu.vector_load %arg10[%get3A_690, %get3A_691] {strides = array<i32>} : memref<1280x64xf32, #tpu.memory_space<vmem>>, vector<16xf32>,
        %mul3A_693 = arith.mulf %get3A_692, %get3A_193 : vector<16xf32>
        %add3A_694 = arith.addf %add3A_689, %mul3A_693 : vector<16xf32>
        %get3A_695 = arith.index_cast %add3A_680 : i32 to index
        %get3A_696 = arith.constant 48 : index
        %get3A_697 = tpu.vector_load %arg10[%get3A_695, %get3A_696] {strides = array<i32>} : memref<1280x64xf32, #tpu.memory_space<vmem>>, vector<16xf32>,
        %mul3A_698 = arith.mulf %get3A_697, %get3A_196 : vector<16xf32>
        %add3A_699 = arith.addf %add3A_694, %mul3A_698 : vector<16xf32>
        %eq3A_700 = arith.constant 15 : i32
        %eq3A_701 = vector.broadcast %eq3A_700 : i32 to vector<16xi32>
        %eq3A_702 = arith.cmpi eq, %iota3A, %eq3A_701 : vector<16xi32>
        %reduce_sum3A_703 = arith.constant true
        %reduce_sum3A_704 = vector.broadcast %reduce_sum3A_703 : i1 to vector<16xi1>
        %reduce_sum3A_705 = tpu.scan <sum>, %add3A_699 masked %reduce_sum3A_704 : vector<16xf32>, vector<16xi1> -> vector<16xf32>
        %reduce_sum3A_706 = vector.extract %reduce_sum3A_705[15] : f32 from vector<16xf32>
        %broadcast_in_dim3A_707 = vector.broadcast %reduce_sum3A_706 : f32 to vector<16xf32>
        %select_n3A_708 = arith.select %eq3A_702, %broadcast_in_dim3A_707, %select_n3A_676 : vector<16xi1>, vector<16xf32>
        %swap3A = arith.index_cast %scan3A_185 : i32 to index
        %swap3A_709 = arith.constant 0 : index
        %swap3A_710 = tpu.vector_load %arg11[%swap3A, %swap3A_709] {strides = array<i32>} : memref<32x48xf32, #tpu.memory_space<vmem>>, vector<16xf32>,
        tpu.vector_store %arg11[%swap3A, %swap3A_709], %select_n3A_708 {strides = array<i32>} : memref<32x48xf32, #tpu.memory_space<vmem>>, vector<16xf32>,
        %broadcast_in_dim3A_711 = arith.constant 0.000000e+00 : f32
        %broadcast_in_dim3A_712 = vector.broadcast %broadcast_in_dim3A_711 : f32 to vector<16xf32>
        %add3A_713 = arith.constant 16 : i32
        %add3A_714 = arith.addi %mul3A_198, %add3A_713 : i32
        %add3A_715 = arith.constant 0 : i32
        %add3A_716 = arith.addi %add3A_714, %add3A_715 : i32
        %get3A_717 = arith.index_cast %add3A_716 : i32 to index
        %get3A_718 = arith.constant 0 : index
        %get3A_719 = tpu.vector_load %arg10[%get3A_717, %get3A_718] {strides = array<i32>} : memref<1280x64xf32, #tpu.memory_space<vmem>>, vector<16xf32>,
        %mul3A_720 = arith.mulf %get3A_719, %get3A_187 : vector<16xf32>
        %get3A_721 = arith.index_cast %add3A_716 : i32 to index
        %get3A_722 = arith.constant 16 : index
        %get3A_723 = tpu.vector_load %arg10[%get3A_721, %get3A_722] {strides = array<i32>} : memref<1280x64xf32, #tpu.memory_space<vmem>>, vector<16xf32>,
        %mul3A_724 = arith.mulf %get3A_723, %get3A_190 : vector<16xf32>
        %add3A_725 = arith.addf %mul3A_720, %mul3A_724 : vector<16xf32>
        %get3A_726 = arith.index_cast %add3A_716 : i32 to index
        %get3A_727 = arith.constant 32 : index
        %get3A_728 = tpu.vector_load %arg10[%get3A_726, %get3A_727] {strides = array<i32>} : memref<1280x64xf32, #tpu.memory_space<vmem>>, vector<16xf32>,
        %mul3A_729 = arith.mulf %get3A_728, %get3A_193 : vector<16xf32>
        %add3A_730 = arith.addf %add3A_725, %mul3A_729 : vector<16xf32>
        %get3A_731 = arith.index_cast %add3A_716 : i32 to index
        %get3A_732 = arith.constant 48 : index
        %get3A_733 = tpu.vector_load %arg10[%get3A_731, %get3A_732] {strides = array<i32>} : memref<1280x64xf32, #tpu.memory_space<vmem>>, vector<16xf32>,
        %mul3A_734 = arith.mulf %get3A_733, %get3A_196 : vector<16xf32>
        %add3A_735 = arith.addf %add3A_730, %mul3A_734 : vector<16xf32>
        %eq3A_736 = arith.constant 0 : i32
        %eq3A_737 = vector.broadcast %eq3A_736 : i32 to vector<16xi32>
        %eq3A_738 = arith.cmpi eq, %iota3A, %eq3A_737 : vector<16xi32>
        %reduce_sum3A_739 = arith.constant true
        %reduce_sum3A_740 = vector.broadcast %reduce_sum3A_739 : i1 to vector<16xi1>
        %reduce_sum3A_741 = tpu.scan <sum>, %add3A_735 masked %reduce_sum3A_740 : vector<16xf32>, vector<16xi1> -> vector<16xf32>
        %reduce_sum3A_742 = vector.extract %reduce_sum3A_741[15] : f32 from vector<16xf32>
        %broadcast_in_dim3A_743 = vector.broadcast %reduce_sum3A_742 : f32 to vector<16xf32>
        %select_n3A_744 = arith.select %eq3A_738, %broadcast_in_dim3A_743, %broadcast_in_dim3A_712 : vector<16xi1>, vector<16xf32>
        %add3A_745 = arith.constant 16 : i32
        %add3A_746 = arith.addi %mul3A_198, %add3A_745 : i32
        %add3A_747 = arith.constant 1 : i32
        %add3A_748 = arith.addi %add3A_746, %add3A_747 : i32
        %get3A_749 = arith.index_cast %add3A_748 : i32 to index
        %get3A_750 = arith.constant 0 : index
        %get3A_751 = tpu.vector_load %arg10[%get3A_749, %get3A_750] {strides = array<i32>} : memref<1280x64xf32, #tpu.memory_space<vmem>>, vector<16xf32>,
        %mul3A_752 = arith.mulf %get3A_751, %get3A_187 : vector<16xf32>
        %get3A_753 = arith.index_cast %add3A_748 : i32 to index
        %get3A_754 = arith.constant 16 : index
        %get3A_755 = tpu.vector_load %arg10[%get3A_753, %get3A_754] {strides = array<i32>} : memref<1280x64xf32, #tpu.memory_space<vmem>>, vector<16xf32>,
        %mul3A_756 = arith.mulf %get3A_755, %get3A_190 : vector<16xf32>
        %add3A_757 = arith.addf %mul3A_752, %mul3A_756 : vector<16xf32>
        %get3A_758 = arith.index_cast %add3A_748 : i32 to index
        %get3A_759 = arith.constant 32 : index
        %get3A_760 = tpu.vector_load %arg10[%get3A_758, %get3A_759] {strides = array<i32>} : memref<1280x64xf32, #tpu.memory_space<vmem>>, vector<16xf32>,
        %mul3A_761 = arith.mulf %get3A_760, %get3A_193 : vector<16xf32>
        %add3A_762 = arith.addf %add3A_757, %mul3A_761 : vector<16xf32>
        %get3A_763 = arith.index_cast %add3A_748 : i32 to index
        %get3A_764 = arith.constant 48 : index
        %get3A_765 = tpu.vector_load %arg10[%get3A_763, %get3A_764] {strides = array<i32>} : memref<1280x64xf32, #tpu.memory_space<vmem>>, vector<16xf32>,
        %mul3A_766 = arith.mulf %get3A_765, %get3A_196 : vector<16xf32>
        %add3A_767 = arith.addf %add3A_762, %mul3A_766 : vector<16xf32>
        %eq3A_768 = arith.constant 1 : i32
        %eq3A_769 = vector.broadcast %eq3A_768 : i32 to vector<16xi32>
        %eq3A_770 = arith.cmpi eq, %iota3A, %eq3A_769 : vector<16xi32>
        %reduce_sum3A_771 = arith.constant true
        %reduce_sum3A_772 = vector.broadcast %reduce_sum3A_771 : i1 to vector<16xi1>
        %reduce_sum3A_773 = tpu.scan <sum>, %add3A_767 masked %reduce_sum3A_772 : vector<16xf32>, vector<16xi1> -> vector<16xf32>
        %reduce_sum3A_774 = vector.extract %reduce_sum3A_773[15] : f32 from vector<16xf32>
        %broadcast_in_dim3A_775 = vector.broadcast %reduce_sum3A_774 : f32 to vector<16xf32>
        %select_n3A_776 = arith.select %eq3A_770, %broadcast_in_dim3A_775, %select_n3A_744 : vector<16xi1>, vector<16xf32>
        %add3A_777 = arith.constant 16 : i32
        %add3A_778 = arith.addi %mul3A_198, %add3A_777 : i32
        %add3A_779 = arith.constant 2 : i32
        %add3A_780 = arith.addi %add3A_778, %add3A_779 : i32
        %get3A_781 = arith.index_cast %add3A_780 : i32 to index
        %get3A_782 = arith.constant 0 : index
        %get3A_783 = tpu.vector_load %arg10[%get3A_781, %get3A_782] {strides = array<i32>} : memref<1280x64xf32, #tpu.memory_space<vmem>>, vector<16xf32>,
        %mul3A_784 = arith.mulf %get3A_783, %get3A_187 : vector<16xf32>
        %get3A_785 = arith.index_cast %add3A_780 : i32 to index
        %get3A_786 = arith.constant 16 : index
        %get3A_787 = tpu.vector_load %arg10[%get3A_785, %get3A_786] {strides = array<i32>} : memref<1280x64xf32, #tpu.memory_space<vmem>>, vector<16xf32>,
        %mul3A_788 = arith.mulf %get3A_787, %get3A_190 : vector<16xf32>
        %add3A_789 = arith.addf %mul3A_784, %mul3A_788 : vector<16xf32>
        %get3A_790 = arith.index_cast %add3A_780 : i32 to index
        %get3A_791 = arith.constant 32 : index
        %get3A_792 = tpu.vector_load %arg10[%get3A_790, %get3A_791] {strides = array<i32>} : memref<1280x64xf32, #tpu.memory_space<vmem>>, vector<16xf32>,
        %mul3A_793 = arith.mulf %get3A_792, %get3A_193 : vector<16xf32>
        %add3A_794 = arith.addf %add3A_789, %mul3A_793 : vector<16xf32>
        %get3A_795 = arith.index_cast %add3A_780 : i32 to index
        %get3A_796 = arith.constant 48 : index
        %get3A_797 = tpu.vector_load %arg10[%get3A_795, %get3A_796] {strides = array<i32>} : memref<1280x64xf32, #tpu.memory_space<vmem>>, vector<16xf32>,
        %mul3A_798 = arith.mulf %get3A_797, %get3A_196 : vector<16xf32>
        %add3A_799 = arith.addf %add3A_794, %mul3A_798 : vector<16xf32>
        %eq3A_800 = arith.constant 2 : i32
        %eq3A_801 = vector.broadcast %eq3A_800 : i32 to vector<16xi32>
        %eq3A_802 = arith.cmpi eq, %iota3A, %eq3A_801 : vector<16xi32>
        %reduce_sum3A_803 = arith.constant true
        %reduce_sum3A_804 = vector.broadcast %reduce_sum3A_803 : i1 to vector<16xi1>
        %reduce_sum3A_805 = tpu.scan <sum>, %add3A_799 masked %reduce_sum3A_804 : vector<16xf32>, vector<16xi1> -> vector<16xf32>
        %reduce_sum3A_806 = vector.extract %reduce_sum3A_805[15] : f32 from vector<16xf32>
        %broadcast_in_dim3A_807 = vector.broadcast %reduce_sum3A_806 : f32 to vector<16xf32>
        %select_n3A_808 = arith.select %eq3A_802, %broadcast_in_dim3A_807, %select_n3A_776 : vector<16xi1>, vector<16xf32>
        %add3A_809 = arith.constant 16 : i32
        %add3A_810 = arith.addi %mul3A_198, %add3A_809 : i32
        %add3A_811 = arith.constant 3 : i32
        %add3A_812 = arith.addi %add3A_810, %add3A_811 : i32
        %get3A_813 = arith.index_cast %add3A_812 : i32 to index
        %get3A_814 = arith.constant 0 : index
        %get3A_815 = tpu.vector_load %arg10[%get3A_813, %get3A_814] {strides = array<i32>} : memref<1280x64xf32, #tpu.memory_space<vmem>>, vector<16xf32>,
        %mul3A_816 = arith.mulf %get3A_815, %get3A_187 : vector<16xf32>
        %get3A_817 = arith.index_cast %add3A_812 : i32 to index
        %get3A_818 = arith.constant 16 : index
        %get3A_819 = tpu.vector_load %arg10[%get3A_817, %get3A_818] {strides = array<i32>} : memref<1280x64xf32, #tpu.memory_space<vmem>>, vector<16xf32>,
        %mul3A_820 = arith.mulf %get3A_819, %get3A_190 : vector<16xf32>
        %add3A_821 = arith.addf %mul3A_816, %mul3A_820 : vector<16xf32>
        %get3A_822 = arith.index_cast %add3A_812 : i32 to index
        %get3A_823 = arith.constant 32 : index
        %get3A_824 = tpu.vector_load %arg10[%get3A_822, %get3A_823] {strides = array<i32>} : memref<1280x64xf32, #tpu.memory_space<vmem>>, vector<16xf32>,
        %mul3A_825 = arith.mulf %get3A_824, %get3A_193 : vector<16xf32>
        %add3A_826 = arith.addf %add3A_821, %mul3A_825 : vector<16xf32>
        %get3A_827 = arith.index_cast %add3A_812 : i32 to index
        %get3A_828 = arith.constant 48 : index
        %get3A_829 = tpu.vector_load %arg10[%get3A_827, %get3A_828] {strides = array<i32>} : memref<1280x64xf32, #tpu.memory_space<vmem>>, vector<16xf32>,
        %mul3A_830 = arith.mulf %get3A_829, %get3A_196 : vector<16xf32>
        %add3A_831 = arith.addf %add3A_826, %mul3A_830 : vector<16xf32>
        %eq3A_832 = arith.constant 3 : i32
        %eq3A_833 = vector.broadcast %eq3A_832 : i32 to vector<16xi32>
        %eq3A_834 = arith.cmpi eq, %iota3A, %eq3A_833 : vector<16xi32>
        %reduce_sum3A_835 = arith.constant true
        %reduce_sum3A_836 = vector.broadcast %reduce_sum3A_835 : i1 to vector<16xi1>
        %reduce_sum3A_837 = tpu.scan <sum>, %add3A_831 masked %reduce_sum3A_836 : vector<16xf32>, vector<16xi1> -> vector<16xf32>
        %reduce_sum3A_838 = vector.extract %reduce_sum3A_837[15] : f32 from vector<16xf32>
        %broadcast_in_dim3A_839 = vector.broadcast %reduce_sum3A_838 : f32 to vector<16xf32>
        %select_n3A_840 = arith.select %eq3A_834, %broadcast_in_dim3A_839, %select_n3A_808 : vector<16xi1>, vector<16xf32>
        %add3A_841 = arith.constant 16 : i32
        %add3A_842 = arith.addi %mul3A_198, %add3A_841 : i32
        %add3A_843 = arith.constant 4 : i32
        %add3A_844 = arith.addi %add3A_842, %add3A_843 : i32
        %get3A_845 = arith.index_cast %add3A_844 : i32 to index
        %get3A_846 = arith.constant 0 : index
        %get3A_847 = tpu.vector_load %arg10[%get3A_845, %get3A_846] {strides = array<i32>} : memref<1280x64xf32, #tpu.memory_space<vmem>>, vector<16xf32>,
        %mul3A_848 = arith.mulf %get3A_847, %get3A_187 : vector<16xf32>
        %get3A_849 = arith.index_cast %add3A_844 : i32 to index
        %get3A_850 = arith.constant 16 : index
        %get3A_851 = tpu.vector_load %arg10[%get3A_849, %get3A_850] {strides = array<i32>} : memref<1280x64xf32, #tpu.memory_space<vmem>>, vector<16xf32>,
        %mul3A_852 = arith.mulf %get3A_851, %get3A_190 : vector<16xf32>
        %add3A_853 = arith.addf %mul3A_848, %mul3A_852 : vector<16xf32>
        %get3A_854 = arith.index_cast %add3A_844 : i32 to index
        %get3A_855 = arith.constant 32 : index
        %get3A_856 = tpu.vector_load %arg10[%get3A_854, %get3A_855] {strides = array<i32>} : memref<1280x64xf32, #tpu.memory_space<vmem>>, vector<16xf32>,
        %mul3A_857 = arith.mulf %get3A_856, %get3A_193 : vector<16xf32>
        %add3A_858 = arith.addf %add3A_853, %mul3A_857 : vector<16xf32>
        %get3A_859 = arith.index_cast %add3A_844 : i32 to index
        %get3A_860 = arith.constant 48 : index
        %get3A_861 = tpu.vector_load %arg10[%get3A_859, %get3A_860] {strides = array<i32>} : memref<1280x64xf32, #tpu.memory_space<vmem>>, vector<16xf32>,
        %mul3A_862 = arith.mulf %get3A_861, %get3A_196 : vector<16xf32>
        %add3A_863 = arith.addf %add3A_858, %mul3A_862 : vector<16xf32>
        %eq3A_864 = arith.constant 4 : i32
        %eq3A_865 = vector.broadcast %eq3A_864 : i32 to vector<16xi32>
        %eq3A_866 = arith.cmpi eq, %iota3A, %eq3A_865 : vector<16xi32>
        %reduce_sum3A_867 = arith.constant true
        %reduce_sum3A_868 = vector.broadcast %reduce_sum3A_867 : i1 to vector<16xi1>
        %reduce_sum3A_869 = tpu.scan <sum>, %add3A_863 masked %reduce_sum3A_868 : vector<16xf32>, vector<16xi1> -> vector<16xf32>
        %reduce_sum3A_870 = vector.extract %reduce_sum3A_869[15] : f32 from vector<16xf32>
        %broadcast_in_dim3A_871 = vector.broadcast %reduce_sum3A_870 : f32 to vector<16xf32>
        %select_n3A_872 = arith.select %eq3A_866, %broadcast_in_dim3A_871, %select_n3A_840 : vector<16xi1>, vector<16xf32>
        %add3A_873 = arith.constant 16 : i32
        %add3A_874 = arith.addi %mul3A_198, %add3A_873 : i32
        %add3A_875 = arith.constant 5 : i32
        %add3A_876 = arith.addi %add3A_874, %add3A_875 : i32
        %get3A_877 = arith.index_cast %add3A_876 : i32 to index
        %get3A_878 = arith.constant 0 : index
        %get3A_879 = tpu.vector_load %arg10[%get3A_877, %get3A_878] {strides = array<i32>} : memref<1280x64xf32, #tpu.memory_space<vmem>>, vector<16xf32>,
        %mul3A_880 = arith.mulf %get3A_879, %get3A_187 : vector<16xf32>
        %get3A_881 = arith.index_cast %add3A_876 : i32 to index
        %get3A_882 = arith.constant 16 : index
        %get3A_883 = tpu.vector_load %arg10[%get3A_881, %get3A_882] {strides = array<i32>} : memref<1280x64xf32, #tpu.memory_space<vmem>>, vector<16xf32>,
        %mul3A_884 = arith.mulf %get3A_883, %get3A_190 : vector<16xf32>
        %add3A_885 = arith.addf %mul3A_880, %mul3A_884 : vector<16xf32>
        %get3A_886 = arith.index_cast %add3A_876 : i32 to index
        %get3A_887 = arith.constant 32 : index
        %get3A_888 = tpu.vector_load %arg10[%get3A_886, %get3A_887] {strides = array<i32>} : memref<1280x64xf32, #tpu.memory_space<vmem>>, vector<16xf32>,
        %mul3A_889 = arith.mulf %get3A_888, %get3A_193 : vector<16xf32>
        %add3A_890 = arith.addf %add3A_885, %mul3A_889 : vector<16xf32>
        %get3A_891 = arith.index_cast %add3A_876 : i32 to index
        %get3A_892 = arith.constant 48 : index
        %get3A_893 = tpu.vector_load %arg10[%get3A_891, %get3A_892] {strides = array<i32>} : memref<1280x64xf32, #tpu.memory_space<vmem>>, vector<16xf32>,
        %mul3A_894 = arith.mulf %get3A_893, %get3A_196 : vector<16xf32>
        %add3A_895 = arith.addf %add3A_890, %mul3A_894 : vector<16xf32>
        %eq3A_896 = arith.constant 5 : i32
        %eq3A_897 = vector.broadcast %eq3A_896 : i32 to vector<16xi32>
        %eq3A_898 = arith.cmpi eq, %iota3A, %eq3A_897 : vector<16xi32>
        %reduce_sum3A_899 = arith.constant true
        %reduce_sum3A_900 = vector.broadcast %reduce_sum3A_899 : i1 to vector<16xi1>
        %reduce_sum3A_901 = tpu.scan <sum>, %add3A_895 masked %reduce_sum3A_900 : vector<16xf32>, vector<16xi1> -> vector<16xf32>
        %reduce_sum3A_902 = vector.extract %reduce_sum3A_901[15] : f32 from vector<16xf32>
        %broadcast_in_dim3A_903 = vector.broadcast %reduce_sum3A_902 : f32 to vector<16xf32>
        %select_n3A_904 = arith.select %eq3A_898, %broadcast_in_dim3A_903, %select_n3A_872 : vector<16xi1>, vector<16xf32>
        %add3A_905 = arith.constant 16 : i32
        %add3A_906 = arith.addi %mul3A_198, %add3A_905 : i32
        %add3A_907 = arith.constant 6 : i32
        %add3A_908 = arith.addi %add3A_906, %add3A_907 : i32
        %get3A_909 = arith.index_cast %add3A_908 : i32 to index
        %get3A_910 = arith.constant 0 : index
        %get3A_911 = tpu.vector_load %arg10[%get3A_909, %get3A_910] {strides = array<i32>} : memref<1280x64xf32, #tpu.memory_space<vmem>>, vector<16xf32>,
        %mul3A_912 = arith.mulf %get3A_911, %get3A_187 : vector<16xf32>
        %get3A_913 = arith.index_cast %add3A_908 : i32 to index
        %get3A_914 = arith.constant 16 : index
        %get3A_915 = tpu.vector_load %arg10[%get3A_913, %get3A_914] {strides = array<i32>} : memref<1280x64xf32, #tpu.memory_space<vmem>>, vector<16xf32>,
        %mul3A_916 = arith.mulf %get3A_915, %get3A_190 : vector<16xf32>
        %add3A_917 = arith.addf %mul3A_912, %mul3A_916 : vector<16xf32>
        %get3A_918 = arith.index_cast %add3A_908 : i32 to index
        %get3A_919 = arith.constant 32 : index
        %get3A_920 = tpu.vector_load %arg10[%get3A_918, %get3A_919] {strides = array<i32>} : memref<1280x64xf32, #tpu.memory_space<vmem>>, vector<16xf32>,
        %mul3A_921 = arith.mulf %get3A_920, %get3A_193 : vector<16xf32>
        %add3A_922 = arith.addf %add3A_917, %mul3A_921 : vector<16xf32>
        %get3A_923 = arith.index_cast %add3A_908 : i32 to index
        %get3A_924 = arith.constant 48 : index
        %get3A_925 = tpu.vector_load %arg10[%get3A_923, %get3A_924] {strides = array<i32>} : memref<1280x64xf32, #tpu.memory_space<vmem>>, vector<16xf32>,
        %mul3A_926 = arith.mulf %get3A_925, %get3A_196 : vector<16xf32>
        %add3A_927 = arith.addf %add3A_922, %mul3A_926 : vector<16xf32>
        %eq3A_928 = arith.constant 6 : i32
        %eq3A_929 = vector.broadcast %eq3A_928 : i32 to vector<16xi32>
        %eq3A_930 = arith.cmpi eq, %iota3A, %eq3A_929 : vector<16xi32>
        %reduce_sum3A_931 = arith.constant true
        %reduce_sum3A_932 = vector.broadcast %reduce_sum3A_931 : i1 to vector<16xi1>
        %reduce_sum3A_933 = tpu.scan <sum>, %add3A_927 masked %reduce_sum3A_932 : vector<16xf32>, vector<16xi1> -> vector<16xf32>
        %reduce_sum3A_934 = vector.extract %reduce_sum3A_933[15] : f32 from vector<16xf32>
        %broadcast_in_dim3A_935 = vector.broadcast %reduce_sum3A_934 : f32 to vector<16xf32>
        %select_n3A_936 = arith.select %eq3A_930, %broadcast_in_dim3A_935, %select_n3A_904 : vector<16xi1>, vector<16xf32>
        %add3A_937 = arith.constant 16 : i32
        %add3A_938 = arith.addi %mul3A_198, %add3A_937 : i32
        %add3A_939 = arith.constant 7 : i32
        %add3A_940 = arith.addi %add3A_938, %add3A_939 : i32
        %get3A_941 = arith.index_cast %add3A_940 : i32 to index
        %get3A_942 = arith.constant 0 : index
        %get3A_943 = tpu.vector_load %arg10[%get3A_941, %get3A_942] {strides = array<i32>} : memref<1280x64xf32, #tpu.memory_space<vmem>>, vector<16xf32>,
        %mul3A_944 = arith.mulf %get3A_943, %get3A_187 : vector<16xf32>
        %get3A_945 = arith.index_cast %add3A_940 : i32 to index
        %get3A_946 = arith.constant 16 : index
        %get3A_947 = tpu.vector_load %arg10[%get3A_945, %get3A_946] {strides = array<i32>} : memref<1280x64xf32, #tpu.memory_space<vmem>>, vector<16xf32>,
        %mul3A_948 = arith.mulf %get3A_947, %get3A_190 : vector<16xf32>
        %add3A_949 = arith.addf %mul3A_944, %mul3A_948 : vector<16xf32>
        %get3A_950 = arith.index_cast %add3A_940 : i32 to index
        %get3A_951 = arith.constant 32 : index
        %get3A_952 = tpu.vector_load %arg10[%get3A_950, %get3A_951] {strides = array<i32>} : memref<1280x64xf32, #tpu.memory_space<vmem>>, vector<16xf32>,
        %mul3A_953 = arith.mulf %get3A_952, %get3A_193 : vector<16xf32>
        %add3A_954 = arith.addf %add3A_949, %mul3A_953 : vector<16xf32>
        %get3A_955 = arith.index_cast %add3A_940 : i32 to index
        %get3A_956 = arith.constant 48 : index
        %get3A_957 = tpu.vector_load %arg10[%get3A_955, %get3A_956] {strides = array<i32>} : memref<1280x64xf32, #tpu.memory_space<vmem>>, vector<16xf32>,
        %mul3A_958 = arith.mulf %get3A_957, %get3A_196 : vector<16xf32>
        %add3A_959 = arith.addf %add3A_954, %mul3A_958 : vector<16xf32>
        %eq3A_960 = arith.constant 7 : i32
        %eq3A_961 = vector.broadcast %eq3A_960 : i32 to vector<16xi32>
        %eq3A_962 = arith.cmpi eq, %iota3A, %eq3A_961 : vector<16xi32>
        %reduce_sum3A_963 = arith.constant true
        %reduce_sum3A_964 = vector.broadcast %reduce_sum3A_963 : i1 to vector<16xi1>
        %reduce_sum3A_965 = tpu.scan <sum>, %add3A_959 masked %reduce_sum3A_964 : vector<16xf32>, vector<16xi1> -> vector<16xf32>
        %reduce_sum3A_966 = vector.extract %reduce_sum3A_965[15] : f32 from vector<16xf32>
        %broadcast_in_dim3A_967 = vector.broadcast %reduce_sum3A_966 : f32 to vector<16xf32>
        %select_n3A_968 = arith.select %eq3A_962, %broadcast_in_dim3A_967, %select_n3A_936 : vector<16xi1>, vector<16xf32>
        %add3A_969 = arith.constant 16 : i32
        %add3A_970 = arith.addi %mul3A_198, %add3A_969 : i32
        %add3A_971 = arith.constant 8 : i32
        %add3A_972 = arith.addi %add3A_970, %add3A_971 : i32
        %get3A_973 = arith.index_cast %add3A_972 : i32 to index
        %get3A_974 = arith.constant 0 : index
        %get3A_975 = tpu.vector_load %arg10[%get3A_973, %get3A_974] {strides = array<i32>} : memref<1280x64xf32, #tpu.memory_space<vmem>>, vector<16xf32>,
        %mul3A_976 = arith.mulf %get3A_975, %get3A_187 : vector<16xf32>
        %get3A_977 = arith.index_cast %add3A_972 : i32 to index
        %get3A_978 = arith.constant 16 : index
        %get3A_979 = tpu.vector_load %arg10[%get3A_977, %get3A_978] {strides = array<i32>} : memref<1280x64xf32, #tpu.memory_space<vmem>>, vector<16xf32>,
        %mul3A_980 = arith.mulf %get3A_979, %get3A_190 : vector<16xf32>
        %add3A_981 = arith.addf %mul3A_976, %mul3A_980 : vector<16xf32>
        %get3A_982 = arith.index_cast %add3A_972 : i32 to index
        %get3A_983 = arith.constant 32 : index
        %get3A_984 = tpu.vector_load %arg10[%get3A_982, %get3A_983] {strides = array<i32>} : memref<1280x64xf32, #tpu.memory_space<vmem>>, vector<16xf32>,
        %mul3A_985 = arith.mulf %get3A_984, %get3A_193 : vector<16xf32>
        %add3A_986 = arith.addf %add3A_981, %mul3A_985 : vector<16xf32>
        %get3A_987 = arith.index_cast %add3A_972 : i32 to index
        %get3A_988 = arith.constant 48 : index
        %get3A_989 = tpu.vector_load %arg10[%get3A_987, %get3A_988] {strides = array<i32>} : memref<1280x64xf32, #tpu.memory_space<vmem>>, vector<16xf32>,
        %mul3A_990 = arith.mulf %get3A_989, %get3A_196 : vector<16xf32>
        %add3A_991 = arith.addf %add3A_986, %mul3A_990 : vector<16xf32>
        %eq3A_992 = arith.constant 8 : i32
        %eq3A_993 = vector.broadcast %eq3A_992 : i32 to vector<16xi32>
        %eq3A_994 = arith.cmpi eq, %iota3A, %eq3A_993 : vector<16xi32>
        %reduce_sum3A_995 = arith.constant true
        %reduce_sum3A_996 = vector.broadcast %reduce_sum3A_995 : i1 to vector<16xi1>
        %reduce_sum3A_997 = tpu.scan <sum>, %add3A_991 masked %reduce_sum3A_996 : vector<16xf32>, vector<16xi1> -> vector<16xf32>
        %reduce_sum3A_998 = vector.extract %reduce_sum3A_997[15] : f32 from vector<16xf32>
        %broadcast_in_dim3A_999 = vector.broadcast %reduce_sum3A_998 : f32 to vector<16xf32>
        %select_n3A_1000 = arith.select %eq3A_994, %broadcast_in_dim3A_999, %select_n3A_968 : vector<16xi1>, vector<16xf32>
        %add3A_1001 = arith.constant 16 : i32
        %add3A_1002 = arith.addi %mul3A_198, %add3A_1001 : i32
        %add3A_1003 = arith.constant 9 : i32
        %add3A_1004 = arith.addi %add3A_1002, %add3A_1003 : i32
        %get3A_1005 = arith.index_cast %add3A_1004 : i32 to index
        %get3A_1006 = arith.constant 0 : index
        %get3A_1007 = tpu.vector_load %arg10[%get3A_1005, %get3A_1006] {strides = array<i32>} : memref<1280x64xf32, #tpu.memory_space<vmem>>, vector<16xf32>,
        %mul3A_1008 = arith.mulf %get3A_1007, %get3A_187 : vector<16xf32>
        %get3A_1009 = arith.index_cast %add3A_1004 : i32 to index
        %get3A_1010 = arith.constant 16 : index
        %get3A_1011 = tpu.vector_load %arg10[%get3A_1009, %get3A_1010] {strides = array<i32>} : memref<1280x64xf32, #tpu.memory_space<vmem>>, vector<16xf32>,
        %mul3A_1012 = arith.mulf %get3A_1011, %get3A_190 : vector<16xf32>
        %add3A_1013 = arith.addf %mul3A_1008, %mul3A_1012 : vector<16xf32>
        %get3A_1014 = arith.index_cast %add3A_1004 : i32 to index
        %get3A_1015 = arith.constant 32 : index
        %get3A_1016 = tpu.vector_load %arg10[%get3A_1014, %get3A_1015] {strides = array<i32>} : memref<1280x64xf32, #tpu.memory_space<vmem>>, vector<16xf32>,
        %mul3A_1017 = arith.mulf %get3A_1016, %get3A_193 : vector<16xf32>
        %add3A_1018 = arith.addf %add3A_1013, %mul3A_1017 : vector<16xf32>
        %get3A_1019 = arith.index_cast %add3A_1004 : i32 to index
        %get3A_1020 = arith.constant 48 : index
        %get3A_1021 = tpu.vector_load %arg10[%get3A_1019, %get3A_1020] {strides = array<i32>} : memref<1280x64xf32, #tpu.memory_space<vmem>>, vector<16xf32>,
        %mul3A_1022 = arith.mulf %get3A_1021, %get3A_196 : vector<16xf32>
        %add3A_1023 = arith.addf %add3A_1018, %mul3A_1022 : vector<16xf32>
        %eq3A_1024 = arith.constant 9 : i32
        %eq3A_1025 = vector.broadcast %eq3A_1024 : i32 to vector<16xi32>
        %eq3A_1026 = arith.cmpi eq, %iota3A, %eq3A_1025 : vector<16xi32>
        %reduce_sum3A_1027 = arith.constant true
        %reduce_sum3A_1028 = vector.broadcast %reduce_sum3A_1027 : i1 to vector<16xi1>
        %reduce_sum3A_1029 = tpu.scan <sum>, %add3A_1023 masked %reduce_sum3A_1028 : vector<16xf32>, vector<16xi1> -> vector<16xf32>
        %reduce_sum3A_1030 = vector.extract %reduce_sum3A_1029[15] : f32 from vector<16xf32>
        %broadcast_in_dim3A_1031 = vector.broadcast %reduce_sum3A_1030 : f32 to vector<16xf32>
        %select_n3A_1032 = arith.select %eq3A_1026, %broadcast_in_dim3A_1031, %select_n3A_1000 : vector<16xi1>, vector<16xf32>
        %add3A_1033 = arith.constant 16 : i32
        %add3A_1034 = arith.addi %mul3A_198, %add3A_1033 : i32
        %add3A_1035 = arith.constant 10 : i32
        %add3A_1036 = arith.addi %add3A_1034, %add3A_1035 : i32
        %get3A_1037 = arith.index_cast %add3A_1036 : i32 to index
        %get3A_1038 = arith.constant 0 : index
        %get3A_1039 = tpu.vector_load %arg10[%get3A_1037, %get3A_1038] {strides = array<i32>} : memref<1280x64xf32, #tpu.memory_space<vmem>>, vector<16xf32>,
        %mul3A_1040 = arith.mulf %get3A_1039, %get3A_187 : vector<16xf32>
        %get3A_1041 = arith.index_cast %add3A_1036 : i32 to index
        %get3A_1042 = arith.constant 16 : index
        %get3A_1043 = tpu.vector_load %arg10[%get3A_1041, %get3A_1042] {strides = array<i32>} : memref<1280x64xf32, #tpu.memory_space<vmem>>, vector<16xf32>,
        %mul3A_1044 = arith.mulf %get3A_1043, %get3A_190 : vector<16xf32>
        %add3A_1045 = arith.addf %mul3A_1040, %mul3A_1044 : vector<16xf32>
        %get3A_1046 = arith.index_cast %add3A_1036 : i32 to index
        %get3A_1047 = arith.constant 32 : index
        %get3A_1048 = tpu.vector_load %arg10[%get3A_1046, %get3A_1047] {strides = array<i32>} : memref<1280x64xf32, #tpu.memory_space<vmem>>, vector<16xf32>,
        %mul3A_1049 = arith.mulf %get3A_1048, %get3A_193 : vector<16xf32>
        %add3A_1050 = arith.addf %add3A_1045, %mul3A_1049 : vector<16xf32>
        %get3A_1051 = arith.index_cast %add3A_1036 : i32 to index
        %get3A_1052 = arith.constant 48 : index
        %get3A_1053 = tpu.vector_load %arg10[%get3A_1051, %get3A_1052] {strides = array<i32>} : memref<1280x64xf32, #tpu.memory_space<vmem>>, vector<16xf32>,
        %mul3A_1054 = arith.mulf %get3A_1053, %get3A_196 : vector<16xf32>
        %add3A_1055 = arith.addf %add3A_1050, %mul3A_1054 : vector<16xf32>
        %eq3A_1056 = arith.constant 10 : i32
        %eq3A_1057 = vector.broadcast %eq3A_1056 : i32 to vector<16xi32>
        %eq3A_1058 = arith.cmpi eq, %iota3A, %eq3A_1057 : vector<16xi32>
        %reduce_sum3A_1059 = arith.constant true
        %reduce_sum3A_1060 = vector.broadcast %reduce_sum3A_1059 : i1 to vector<16xi1>
        %reduce_sum3A_1061 = tpu.scan <sum>, %add3A_1055 masked %reduce_sum3A_1060 : vector<16xf32>, vector<16xi1> -> vector<16xf32>
        %reduce_sum3A_1062 = vector.extract %reduce_sum3A_1061[15] : f32 from vector<16xf32>
        %broadcast_in_dim3A_1063 = vector.broadcast %reduce_sum3A_1062 : f32 to vector<16xf32>
        %select_n3A_1064 = arith.select %eq3A_1058, %broadcast_in_dim3A_1063, %select_n3A_1032 : vector<16xi1>, vector<16xf32>
        %add3A_1065 = arith.constant 16 : i32
        %add3A_1066 = arith.addi %mul3A_198, %add3A_1065 : i32
        %add3A_1067 = arith.constant 11 : i32
        %add3A_1068 = arith.addi %add3A_1066, %add3A_1067 : i32
        %get3A_1069 = arith.index_cast %add3A_1068 : i32 to index
        %get3A_1070 = arith.constant 0 : index
        %get3A_1071 = tpu.vector_load %arg10[%get3A_1069, %get3A_1070] {strides = array<i32>} : memref<1280x64xf32, #tpu.memory_space<vmem>>, vector<16xf32>,
        %mul3A_1072 = arith.mulf %get3A_1071, %get3A_187 : vector<16xf32>
        %get3A_1073 = arith.index_cast %add3A_1068 : i32 to index
        %get3A_1074 = arith.constant 16 : index
        %get3A_1075 = tpu.vector_load %arg10[%get3A_1073, %get3A_1074] {strides = array<i32>} : memref<1280x64xf32, #tpu.memory_space<vmem>>, vector<16xf32>,
        %mul3A_1076 = arith.mulf %get3A_1075, %get3A_190 : vector<16xf32>
        %add3A_1077 = arith.addf %mul3A_1072, %mul3A_1076 : vector<16xf32>
        %get3A_1078 = arith.index_cast %add3A_1068 : i32 to index
        %get3A_1079 = arith.constant 32 : index
        %get3A_1080 = tpu.vector_load %arg10[%get3A_1078, %get3A_1079] {strides = array<i32>} : memref<1280x64xf32, #tpu.memory_space<vmem>>, vector<16xf32>,
        %mul3A_1081 = arith.mulf %get3A_1080, %get3A_193 : vector<16xf32>
        %add3A_1082 = arith.addf %add3A_1077, %mul3A_1081 : vector<16xf32>
        %get3A_1083 = arith.index_cast %add3A_1068 : i32 to index
        %get3A_1084 = arith.constant 48 : index
        %get3A_1085 = tpu.vector_load %arg10[%get3A_1083, %get3A_1084] {strides = array<i32>} : memref<1280x64xf32, #tpu.memory_space<vmem>>, vector<16xf32>,
        %mul3A_1086 = arith.mulf %get3A_1085, %get3A_196 : vector<16xf32>
        %add3A_1087 = arith.addf %add3A_1082, %mul3A_1086 : vector<16xf32>
        %eq3A_1088 = arith.constant 11 : i32
        %eq3A_1089 = vector.broadcast %eq3A_1088 : i32 to vector<16xi32>
        %eq3A_1090 = arith.cmpi eq, %iota3A, %eq3A_1089 : vector<16xi32>
        %reduce_sum3A_1091 = arith.constant true
        %reduce_sum3A_1092 = vector.broadcast %reduce_sum3A_1091 : i1 to vector<16xi1>
        %reduce_sum3A_1093 = tpu.scan <sum>, %add3A_1087 masked %reduce_sum3A_1092 : vector<16xf32>, vector<16xi1> -> vector<16xf32>
        %reduce_sum3A_1094 = vector.extract %reduce_sum3A_1093[15] : f32 from vector<16xf32>
        %broadcast_in_dim3A_1095 = vector.broadcast %reduce_sum3A_1094 : f32 to vector<16xf32>
        %select_n3A_1096 = arith.select %eq3A_1090, %broadcast_in_dim3A_1095, %select_n3A_1064 : vector<16xi1>, vector<16xf32>
        %add3A_1097 = arith.constant 16 : i32
        %add3A_1098 = arith.addi %mul3A_198, %add3A_1097 : i32
        %add3A_1099 = arith.constant 12 : i32
        %add3A_1100 = arith.addi %add3A_1098, %add3A_1099 : i32
        %get3A_1101 = arith.index_cast %add3A_1100 : i32 to index
        %get3A_1102 = arith.constant 0 : index
        %get3A_1103 = tpu.vector_load %arg10[%get3A_1101, %get3A_1102] {strides = array<i32>} : memref<1280x64xf32, #tpu.memory_space<vmem>>, vector<16xf32>,
        %mul3A_1104 = arith.mulf %get3A_1103, %get3A_187 : vector<16xf32>
        %get3A_1105 = arith.index_cast %add3A_1100 : i32 to index
        %get3A_1106 = arith.constant 16 : index
        %get3A_1107 = tpu.vector_load %arg10[%get3A_1105, %get3A_1106] {strides = array<i32>} : memref<1280x64xf32, #tpu.memory_space<vmem>>, vector<16xf32>,
        %mul3A_1108 = arith.mulf %get3A_1107, %get3A_190 : vector<16xf32>
        %add3A_1109 = arith.addf %mul3A_1104, %mul3A_1108 : vector<16xf32>
        %get3A_1110 = arith.index_cast %add3A_1100 : i32 to index
        %get3A_1111 = arith.constant 32 : index
        %get3A_1112 = tpu.vector_load %arg10[%get3A_1110, %get3A_1111] {strides = array<i32>} : memref<1280x64xf32, #tpu.memory_space<vmem>>, vector<16xf32>,
        %mul3A_1113 = arith.mulf %get3A_1112, %get3A_193 : vector<16xf32>
        %add3A_1114 = arith.addf %add3A_1109, %mul3A_1113 : vector<16xf32>
        %get3A_1115 = arith.index_cast %add3A_1100 : i32 to index
        %get3A_1116 = arith.constant 48 : index
        %get3A_1117 = tpu.vector_load %arg10[%get3A_1115, %get3A_1116] {strides = array<i32>} : memref<1280x64xf32, #tpu.memory_space<vmem>>, vector<16xf32>,
        %mul3A_1118 = arith.mulf %get3A_1117, %get3A_196 : vector<16xf32>
        %add3A_1119 = arith.addf %add3A_1114, %mul3A_1118 : vector<16xf32>
        %eq3A_1120 = arith.constant 12 : i32
        %eq3A_1121 = vector.broadcast %eq3A_1120 : i32 to vector<16xi32>
        %eq3A_1122 = arith.cmpi eq, %iota3A, %eq3A_1121 : vector<16xi32>
        %reduce_sum3A_1123 = arith.constant true
        %reduce_sum3A_1124 = vector.broadcast %reduce_sum3A_1123 : i1 to vector<16xi1>
        %reduce_sum3A_1125 = tpu.scan <sum>, %add3A_1119 masked %reduce_sum3A_1124 : vector<16xf32>, vector<16xi1> -> vector<16xf32>
        %reduce_sum3A_1126 = vector.extract %reduce_sum3A_1125[15] : f32 from vector<16xf32>
        %broadcast_in_dim3A_1127 = vector.broadcast %reduce_sum3A_1126 : f32 to vector<16xf32>
        %select_n3A_1128 = arith.select %eq3A_1122, %broadcast_in_dim3A_1127, %select_n3A_1096 : vector<16xi1>, vector<16xf32>
        %add3A_1129 = arith.constant 16 : i32
        %add3A_1130 = arith.addi %mul3A_198, %add3A_1129 : i32
        %add3A_1131 = arith.constant 13 : i32
        %add3A_1132 = arith.addi %add3A_1130, %add3A_1131 : i32
        %get3A_1133 = arith.index_cast %add3A_1132 : i32 to index
        %get3A_1134 = arith.constant 0 : index
        %get3A_1135 = tpu.vector_load %arg10[%get3A_1133, %get3A_1134] {strides = array<i32>} : memref<1280x64xf32, #tpu.memory_space<vmem>>, vector<16xf32>,
        %mul3A_1136 = arith.mulf %get3A_1135, %get3A_187 : vector<16xf32>
        %get3A_1137 = arith.index_cast %add3A_1132 : i32 to index
        %get3A_1138 = arith.constant 16 : index
        %get3A_1139 = tpu.vector_load %arg10[%get3A_1137, %get3A_1138] {strides = array<i32>} : memref<1280x64xf32, #tpu.memory_space<vmem>>, vector<16xf32>,
        %mul3A_1140 = arith.mulf %get3A_1139, %get3A_190 : vector<16xf32>
        %add3A_1141 = arith.addf %mul3A_1136, %mul3A_1140 : vector<16xf32>
        %get3A_1142 = arith.index_cast %add3A_1132 : i32 to index
        %get3A_1143 = arith.constant 32 : index
        %get3A_1144 = tpu.vector_load %arg10[%get3A_1142, %get3A_1143] {strides = array<i32>} : memref<1280x64xf32, #tpu.memory_space<vmem>>, vector<16xf32>,
        %mul3A_1145 = arith.mulf %get3A_1144, %get3A_193 : vector<16xf32>
        %add3A_1146 = arith.addf %add3A_1141, %mul3A_1145 : vector<16xf32>
        %get3A_1147 = arith.index_cast %add3A_1132 : i32 to index
        %get3A_1148 = arith.constant 48 : index
        %get3A_1149 = tpu.vector_load %arg10[%get3A_1147, %get3A_1148] {strides = array<i32>} : memref<1280x64xf32, #tpu.memory_space<vmem>>, vector<16xf32>,
        %mul3A_1150 = arith.mulf %get3A_1149, %get3A_196 : vector<16xf32>
        %add3A_1151 = arith.addf %add3A_1146, %mul3A_1150 : vector<16xf32>
        %eq3A_1152 = arith.constant 13 : i32
        %eq3A_1153 = vector.broadcast %eq3A_1152 : i32 to vector<16xi32>
        %eq3A_1154 = arith.cmpi eq, %iota3A, %eq3A_1153 : vector<16xi32>
        %reduce_sum3A_1155 = arith.constant true
        %reduce_sum3A_1156 = vector.broadcast %reduce_sum3A_1155 : i1 to vector<16xi1>
        %reduce_sum3A_1157 = tpu.scan <sum>, %add3A_1151 masked %reduce_sum3A_1156 : vector<16xf32>, vector<16xi1> -> vector<16xf32>
        %reduce_sum3A_1158 = vector.extract %reduce_sum3A_1157[15] : f32 from vector<16xf32>
        %broadcast_in_dim3A_1159 = vector.broadcast %reduce_sum3A_1158 : f32 to vector<16xf32>
        %select_n3A_1160 = arith.select %eq3A_1154, %broadcast_in_dim3A_1159, %select_n3A_1128 : vector<16xi1>, vector<16xf32>
        %add3A_1161 = arith.constant 16 : i32
        %add3A_1162 = arith.addi %mul3A_198, %add3A_1161 : i32
        %add3A_1163 = arith.constant 14 : i32
        %add3A_1164 = arith.addi %add3A_1162, %add3A_1163 : i32
        %get3A_1165 = arith.index_cast %add3A_1164 : i32 to index
        %get3A_1166 = arith.constant 0 : index
        %get3A_1167 = tpu.vector_load %arg10[%get3A_1165, %get3A_1166] {strides = array<i32>} : memref<1280x64xf32, #tpu.memory_space<vmem>>, vector<16xf32>,
        %mul3A_1168 = arith.mulf %get3A_1167, %get3A_187 : vector<16xf32>
        %get3A_1169 = arith.index_cast %add3A_1164 : i32 to index
        %get3A_1170 = arith.constant 16 : index
        %get3A_1171 = tpu.vector_load %arg10[%get3A_1169, %get3A_1170] {strides = array<i32>} : memref<1280x64xf32, #tpu.memory_space<vmem>>, vector<16xf32>,
        %mul3A_1172 = arith.mulf %get3A_1171, %get3A_190 : vector<16xf32>
        %add3A_1173 = arith.addf %mul3A_1168, %mul3A_1172 : vector<16xf32>
        %get3A_1174 = arith.index_cast %add3A_1164 : i32 to index
        %get3A_1175 = arith.constant 32 : index
        %get3A_1176 = tpu.vector_load %arg10[%get3A_1174, %get3A_1175] {strides = array<i32>} : memref<1280x64xf32, #tpu.memory_space<vmem>>, vector<16xf32>,
        %mul3A_1177 = arith.mulf %get3A_1176, %get3A_193 : vector<16xf32>
        %add3A_1178 = arith.addf %add3A_1173, %mul3A_1177 : vector<16xf32>
        %get3A_1179 = arith.index_cast %add3A_1164 : i32 to index
        %get3A_1180 = arith.constant 48 : index
        %get3A_1181 = tpu.vector_load %arg10[%get3A_1179, %get3A_1180] {strides = array<i32>} : memref<1280x64xf32, #tpu.memory_space<vmem>>, vector<16xf32>,
        %mul3A_1182 = arith.mulf %get3A_1181, %get3A_196 : vector<16xf32>
        %add3A_1183 = arith.addf %add3A_1178, %mul3A_1182 : vector<16xf32>
        %eq3A_1184 = arith.constant 14 : i32
        %eq3A_1185 = vector.broadcast %eq3A_1184 : i32 to vector<16xi32>
        %eq3A_1186 = arith.cmpi eq, %iota3A, %eq3A_1185 : vector<16xi32>
        %reduce_sum3A_1187 = arith.constant true
        %reduce_sum3A_1188 = vector.broadcast %reduce_sum3A_1187 : i1 to vector<16xi1>
        %reduce_sum3A_1189 = tpu.scan <sum>, %add3A_1183 masked %reduce_sum3A_1188 : vector<16xf32>, vector<16xi1> -> vector<16xf32>
        %reduce_sum3A_1190 = vector.extract %reduce_sum3A_1189[15] : f32 from vector<16xf32>
        %broadcast_in_dim3A_1191 = vector.broadcast %reduce_sum3A_1190 : f32 to vector<16xf32>
        %select_n3A_1192 = arith.select %eq3A_1186, %broadcast_in_dim3A_1191, %select_n3A_1160 : vector<16xi1>, vector<16xf32>
        %add3A_1193 = arith.constant 16 : i32
        %add3A_1194 = arith.addi %mul3A_198, %add3A_1193 : i32
        %add3A_1195 = arith.constant 15 : i32
        %add3A_1196 = arith.addi %add3A_1194, %add3A_1195 : i32
        %get3A_1197 = arith.index_cast %add3A_1196 : i32 to index
        %get3A_1198 = arith.constant 0 : index
        %get3A_1199 = tpu.vector_load %arg10[%get3A_1197, %get3A_1198] {strides = array<i32>} : memref<1280x64xf32, #tpu.memory_space<vmem>>, vector<16xf32>,
        %mul3A_1200 = arith.mulf %get3A_1199, %get3A_187 : vector<16xf32>
        %get3A_1201 = arith.index_cast %add3A_1196 : i32 to index
        %get3A_1202 = arith.constant 16 : index
        %get3A_1203 = tpu.vector_load %arg10[%get3A_1201, %get3A_1202] {strides = array<i32>} : memref<1280x64xf32, #tpu.memory_space<vmem>>, vector<16xf32>,
        %mul3A_1204 = arith.mulf %get3A_1203, %get3A_190 : vector<16xf32>
        %add3A_1205 = arith.addf %mul3A_1200, %mul3A_1204 : vector<16xf32>
        %get3A_1206 = arith.index_cast %add3A_1196 : i32 to index
        %get3A_1207 = arith.constant 32 : index
        %get3A_1208 = tpu.vector_load %arg10[%get3A_1206, %get3A_1207] {strides = array<i32>} : memref<1280x64xf32, #tpu.memory_space<vmem>>, vector<16xf32>,
        %mul3A_1209 = arith.mulf %get3A_1208, %get3A_193 : vector<16xf32>
        %add3A_1210 = arith.addf %add3A_1205, %mul3A_1209 : vector<16xf32>
        %get3A_1211 = arith.index_cast %add3A_1196 : i32 to index
        %get3A_1212 = arith.constant 48 : index
        %get3A_1213 = tpu.vector_load %arg10[%get3A_1211, %get3A_1212] {strides = array<i32>} : memref<1280x64xf32, #tpu.memory_space<vmem>>, vector<16xf32>,
        %mul3A_1214 = arith.mulf %get3A_1213, %get3A_196 : vector<16xf32>
        %add3A_1215 = arith.addf %add3A_1210, %mul3A_1214 : vector<16xf32>
        %eq3A_1216 = arith.constant 15 : i32
        %eq3A_1217 = vector.broadcast %eq3A_1216 : i32 to vector<16xi32>
        %eq3A_1218 = arith.cmpi eq, %iota3A, %eq3A_1217 : vector<16xi32>
        %reduce_sum3A_1219 = arith.constant true
        %reduce_sum3A_1220 = vector.broadcast %reduce_sum3A_1219 : i1 to vector<16xi1>
        %reduce_sum3A_1221 = tpu.scan <sum>, %add3A_1215 masked %reduce_sum3A_1220 : vector<16xf32>, vector<16xi1> -> vector<16xf32>
        %reduce_sum3A_1222 = vector.extract %reduce_sum3A_1221[15] : f32 from vector<16xf32>
        %broadcast_in_dim3A_1223 = vector.broadcast %reduce_sum3A_1222 : f32 to vector<16xf32>
        %select_n3A_1224 = arith.select %eq3A_1218, %broadcast_in_dim3A_1223, %select_n3A_1192 : vector<16xi1>, vector<16xf32>
        %swap3A_1225 = arith.index_cast %scan3A_185 : i32 to index
        %swap3A_1226 = arith.constant 16 : index
        %swap3A_1227 = tpu.vector_load %arg11[%swap3A_1225, %swap3A_1226] {strides = array<i32>} : memref<32x48xf32, #tpu.memory_space<vmem>>, vector<16xf32>,
        tpu.vector_store %arg11[%swap3A_1225, %swap3A_1226], %select_n3A_1224 {strides = array<i32>} : memref<32x48xf32, #tpu.memory_space<vmem>>, vector<16xf32>,
        %broadcast_in_dim3A_1228 = arith.constant 0.000000e+00 : f32
        %broadcast_in_dim3A_1229 = vector.broadcast %broadcast_in_dim3A_1228 : f32 to vector<16xf32>
        %add3A_1230 = arith.constant 32 : i32
        %add3A_1231 = arith.addi %mul3A_198, %add3A_1230 : i32
        %add3A_1232 = arith.constant 0 : i32
        %add3A_1233 = arith.addi %add3A_1231, %add3A_1232 : i32
        %get3A_1234 = arith.index_cast %add3A_1233 : i32 to index
        %get3A_1235 = arith.constant 0 : index
        %get3A_1236 = tpu.vector_load %arg10[%get3A_1234, %get3A_1235] {strides = array<i32>} : memref<1280x64xf32, #tpu.memory_space<vmem>>, vector<16xf32>,
        %mul3A_1237 = arith.mulf %get3A_1236, %get3A_187 : vector<16xf32>
        %get3A_1238 = arith.index_cast %add3A_1233 : i32 to index
        %get3A_1239 = arith.constant 16 : index
        %get3A_1240 = tpu.vector_load %arg10[%get3A_1238, %get3A_1239] {strides = array<i32>} : memref<1280x64xf32, #tpu.memory_space<vmem>>, vector<16xf32>,
        %mul3A_1241 = arith.mulf %get3A_1240, %get3A_190 : vector<16xf32>
        %add3A_1242 = arith.addf %mul3A_1237, %mul3A_1241 : vector<16xf32>
        %get3A_1243 = arith.index_cast %add3A_1233 : i32 to index
        %get3A_1244 = arith.constant 32 : index
        %get3A_1245 = tpu.vector_load %arg10[%get3A_1243, %get3A_1244] {strides = array<i32>} : memref<1280x64xf32, #tpu.memory_space<vmem>>, vector<16xf32>,
        %mul3A_1246 = arith.mulf %get3A_1245, %get3A_193 : vector<16xf32>
        %add3A_1247 = arith.addf %add3A_1242, %mul3A_1246 : vector<16xf32>
        %get3A_1248 = arith.index_cast %add3A_1233 : i32 to index
        %get3A_1249 = arith.constant 48 : index
        %get3A_1250 = tpu.vector_load %arg10[%get3A_1248, %get3A_1249] {strides = array<i32>} : memref<1280x64xf32, #tpu.memory_space<vmem>>, vector<16xf32>,
        %mul3A_1251 = arith.mulf %get3A_1250, %get3A_196 : vector<16xf32>
        %add3A_1252 = arith.addf %add3A_1247, %mul3A_1251 : vector<16xf32>
        %eq3A_1253 = arith.constant 0 : i32
        %eq3A_1254 = vector.broadcast %eq3A_1253 : i32 to vector<16xi32>
        %eq3A_1255 = arith.cmpi eq, %iota3A, %eq3A_1254 : vector<16xi32>
        %reduce_sum3A_1256 = arith.constant true
        %reduce_sum3A_1257 = vector.broadcast %reduce_sum3A_1256 : i1 to vector<16xi1>
        %reduce_sum3A_1258 = tpu.scan <sum>, %add3A_1252 masked %reduce_sum3A_1257 : vector<16xf32>, vector<16xi1> -> vector<16xf32>
        %reduce_sum3A_1259 = vector.extract %reduce_sum3A_1258[15] : f32 from vector<16xf32>
        %broadcast_in_dim3A_1260 = vector.broadcast %reduce_sum3A_1259 : f32 to vector<16xf32>
        %select_n3A_1261 = arith.select %eq3A_1255, %broadcast_in_dim3A_1260, %broadcast_in_dim3A_1229 : vector<16xi1>, vector<16xf32>
        %add3A_1262 = arith.constant 32 : i32
        %add3A_1263 = arith.addi %mul3A_198, %add3A_1262 : i32
        %add3A_1264 = arith.constant 1 : i32
        %add3A_1265 = arith.addi %add3A_1263, %add3A_1264 : i32
        %get3A_1266 = arith.index_cast %add3A_1265 : i32 to index
        %get3A_1267 = arith.constant 0 : index
        %get3A_1268 = tpu.vector_load %arg10[%get3A_1266, %get3A_1267] {strides = array<i32>} : memref<1280x64xf32, #tpu.memory_space<vmem>>, vector<16xf32>,
        %mul3A_1269 = arith.mulf %get3A_1268, %get3A_187 : vector<16xf32>
        %get3A_1270 = arith.index_cast %add3A_1265 : i32 to index
        %get3A_1271 = arith.constant 16 : index
        %get3A_1272 = tpu.vector_load %arg10[%get3A_1270, %get3A_1271] {strides = array<i32>} : memref<1280x64xf32, #tpu.memory_space<vmem>>, vector<16xf32>,
        %mul3A_1273 = arith.mulf %get3A_1272, %get3A_190 : vector<16xf32>
        %add3A_1274 = arith.addf %mul3A_1269, %mul3A_1273 : vector<16xf32>
        %get3A_1275 = arith.index_cast %add3A_1265 : i32 to index
        %get3A_1276 = arith.constant 32 : index
        %get3A_1277 = tpu.vector_load %arg10[%get3A_1275, %get3A_1276] {strides = array<i32>} : memref<1280x64xf32, #tpu.memory_space<vmem>>, vector<16xf32>,
        %mul3A_1278 = arith.mulf %get3A_1277, %get3A_193 : vector<16xf32>
        %add3A_1279 = arith.addf %add3A_1274, %mul3A_1278 : vector<16xf32>
        %get3A_1280 = arith.index_cast %add3A_1265 : i32 to index
        %get3A_1281 = arith.constant 48 : index
        %get3A_1282 = tpu.vector_load %arg10[%get3A_1280, %get3A_1281] {strides = array<i32>} : memref<1280x64xf32, #tpu.memory_space<vmem>>, vector<16xf32>,
        %mul3A_1283 = arith.mulf %get3A_1282, %get3A_196 : vector<16xf32>
        %add3A_1284 = arith.addf %add3A_1279, %mul3A_1283 : vector<16xf32>
        %eq3A_1285 = arith.constant 1 : i32
        %eq3A_1286 = vector.broadcast %eq3A_1285 : i32 to vector<16xi32>
        %eq3A_1287 = arith.cmpi eq, %iota3A, %eq3A_1286 : vector<16xi32>
        %reduce_sum3A_1288 = arith.constant true
        %reduce_sum3A_1289 = vector.broadcast %reduce_sum3A_1288 : i1 to vector<16xi1>
        %reduce_sum3A_1290 = tpu.scan <sum>, %add3A_1284 masked %reduce_sum3A_1289 : vector<16xf32>, vector<16xi1> -> vector<16xf32>
        %reduce_sum3A_1291 = vector.extract %reduce_sum3A_1290[15] : f32 from vector<16xf32>
        %broadcast_in_dim3A_1292 = vector.broadcast %reduce_sum3A_1291 : f32 to vector<16xf32>
        %select_n3A_1293 = arith.select %eq3A_1287, %broadcast_in_dim3A_1292, %select_n3A_1261 : vector<16xi1>, vector<16xf32>
        %add3A_1294 = arith.constant 32 : i32
        %add3A_1295 = arith.addi %mul3A_198, %add3A_1294 : i32
        %add3A_1296 = arith.constant 2 : i32
        %add3A_1297 = arith.addi %add3A_1295, %add3A_1296 : i32
        %get3A_1298 = arith.index_cast %add3A_1297 : i32 to index
        %get3A_1299 = arith.constant 0 : index
        %get3A_1300 = tpu.vector_load %arg10[%get3A_1298, %get3A_1299] {strides = array<i32>} : memref<1280x64xf32, #tpu.memory_space<vmem>>, vector<16xf32>,
        %mul3A_1301 = arith.mulf %get3A_1300, %get3A_187 : vector<16xf32>
        %get3A_1302 = arith.index_cast %add3A_1297 : i32 to index
        %get3A_1303 = arith.constant 16 : index
        %get3A_1304 = tpu.vector_load %arg10[%get3A_1302, %get3A_1303] {strides = array<i32>} : memref<1280x64xf32, #tpu.memory_space<vmem>>, vector<16xf32>,
        %mul3A_1305 = arith.mulf %get3A_1304, %get3A_190 : vector<16xf32>
        %add3A_1306 = arith.addf %mul3A_1301, %mul3A_1305 : vector<16xf32>
        %get3A_1307 = arith.index_cast %add3A_1297 : i32 to index
        %get3A_1308 = arith.constant 32 : index
        %get3A_1309 = tpu.vector_load %arg10[%get3A_1307, %get3A_1308] {strides = array<i32>} : memref<1280x64xf32, #tpu.memory_space<vmem>>, vector<16xf32>,
        %mul3A_1310 = arith.mulf %get3A_1309, %get3A_193 : vector<16xf32>
        %add3A_1311 = arith.addf %add3A_1306, %mul3A_1310 : vector<16xf32>
        %get3A_1312 = arith.index_cast %add3A_1297 : i32 to index
        %get3A_1313 = arith.constant 48 : index
        %get3A_1314 = tpu.vector_load %arg10[%get3A_1312, %get3A_1313] {strides = array<i32>} : memref<1280x64xf32, #tpu.memory_space<vmem>>, vector<16xf32>,
        %mul3A_1315 = arith.mulf %get3A_1314, %get3A_196 : vector<16xf32>
        %add3A_1316 = arith.addf %add3A_1311, %mul3A_1315 : vector<16xf32>
        %eq3A_1317 = arith.constant 2 : i32
        %eq3A_1318 = vector.broadcast %eq3A_1317 : i32 to vector<16xi32>
        %eq3A_1319 = arith.cmpi eq, %iota3A, %eq3A_1318 : vector<16xi32>
        %reduce_sum3A_1320 = arith.constant true
        %reduce_sum3A_1321 = vector.broadcast %reduce_sum3A_1320 : i1 to vector<16xi1>
        %reduce_sum3A_1322 = tpu.scan <sum>, %add3A_1316 masked %reduce_sum3A_1321 : vector<16xf32>, vector<16xi1> -> vector<16xf32>
        %reduce_sum3A_1323 = vector.extract %reduce_sum3A_1322[15] : f32 from vector<16xf32>
        %broadcast_in_dim3A_1324 = vector.broadcast %reduce_sum3A_1323 : f32 to vector<16xf32>
        %select_n3A_1325 = arith.select %eq3A_1319, %broadcast_in_dim3A_1324, %select_n3A_1293 : vector<16xi1>, vector<16xf32>
        %add3A_1326 = arith.constant 32 : i32
        %add3A_1327 = arith.addi %mul3A_198, %add3A_1326 : i32
        %add3A_1328 = arith.constant 3 : i32
        %add3A_1329 = arith.addi %add3A_1327, %add3A_1328 : i32
        %get3A_1330 = arith.index_cast %add3A_1329 : i32 to index
        %get3A_1331 = arith.constant 0 : index
        %get3A_1332 = tpu.vector_load %arg10[%get3A_1330, %get3A_1331] {strides = array<i32>} : memref<1280x64xf32, #tpu.memory_space<vmem>>, vector<16xf32>,
        %mul3A_1333 = arith.mulf %get3A_1332, %get3A_187 : vector<16xf32>
        %get3A_1334 = arith.index_cast %add3A_1329 : i32 to index
        %get3A_1335 = arith.constant 16 : index
        %get3A_1336 = tpu.vector_load %arg10[%get3A_1334, %get3A_1335] {strides = array<i32>} : memref<1280x64xf32, #tpu.memory_space<vmem>>, vector<16xf32>,
        %mul3A_1337 = arith.mulf %get3A_1336, %get3A_190 : vector<16xf32>
        %add3A_1338 = arith.addf %mul3A_1333, %mul3A_1337 : vector<16xf32>
        %get3A_1339 = arith.index_cast %add3A_1329 : i32 to index
        %get3A_1340 = arith.constant 32 : index
        %get3A_1341 = tpu.vector_load %arg10[%get3A_1339, %get3A_1340] {strides = array<i32>} : memref<1280x64xf32, #tpu.memory_space<vmem>>, vector<16xf32>,
        %mul3A_1342 = arith.mulf %get3A_1341, %get3A_193 : vector<16xf32>
        %add3A_1343 = arith.addf %add3A_1338, %mul3A_1342 : vector<16xf32>
        %get3A_1344 = arith.index_cast %add3A_1329 : i32 to index
        %get3A_1345 = arith.constant 48 : index
        %get3A_1346 = tpu.vector_load %arg10[%get3A_1344, %get3A_1345] {strides = array<i32>} : memref<1280x64xf32, #tpu.memory_space<vmem>>, vector<16xf32>,
        %mul3A_1347 = arith.mulf %get3A_1346, %get3A_196 : vector<16xf32>
        %add3A_1348 = arith.addf %add3A_1343, %mul3A_1347 : vector<16xf32>
        %eq3A_1349 = arith.constant 3 : i32
        %eq3A_1350 = vector.broadcast %eq3A_1349 : i32 to vector<16xi32>
        %eq3A_1351 = arith.cmpi eq, %iota3A, %eq3A_1350 : vector<16xi32>
        %reduce_sum3A_1352 = arith.constant true
        %reduce_sum3A_1353 = vector.broadcast %reduce_sum3A_1352 : i1 to vector<16xi1>
        %reduce_sum3A_1354 = tpu.scan <sum>, %add3A_1348 masked %reduce_sum3A_1353 : vector<16xf32>, vector<16xi1> -> vector<16xf32>
        %reduce_sum3A_1355 = vector.extract %reduce_sum3A_1354[15] : f32 from vector<16xf32>
        %broadcast_in_dim3A_1356 = vector.broadcast %reduce_sum3A_1355 : f32 to vector<16xf32>
        %select_n3A_1357 = arith.select %eq3A_1351, %broadcast_in_dim3A_1356, %select_n3A_1325 : vector<16xi1>, vector<16xf32>
        %add3A_1358 = arith.constant 32 : i32
        %add3A_1359 = arith.addi %mul3A_198, %add3A_1358 : i32
        %add3A_1360 = arith.constant 4 : i32
        %add3A_1361 = arith.addi %add3A_1359, %add3A_1360 : i32
        %get3A_1362 = arith.index_cast %add3A_1361 : i32 to index
        %get3A_1363 = arith.constant 0 : index
        %get3A_1364 = tpu.vector_load %arg10[%get3A_1362, %get3A_1363] {strides = array<i32>} : memref<1280x64xf32, #tpu.memory_space<vmem>>, vector<16xf32>,
        %mul3A_1365 = arith.mulf %get3A_1364, %get3A_187 : vector<16xf32>
        %get3A_1366 = arith.index_cast %add3A_1361 : i32 to index
        %get3A_1367 = arith.constant 16 : index
        %get3A_1368 = tpu.vector_load %arg10[%get3A_1366, %get3A_1367] {strides = array<i32>} : memref<1280x64xf32, #tpu.memory_space<vmem>>, vector<16xf32>,
        %mul3A_1369 = arith.mulf %get3A_1368, %get3A_190 : vector<16xf32>
        %add3A_1370 = arith.addf %mul3A_1365, %mul3A_1369 : vector<16xf32>
        %get3A_1371 = arith.index_cast %add3A_1361 : i32 to index
        %get3A_1372 = arith.constant 32 : index
        %get3A_1373 = tpu.vector_load %arg10[%get3A_1371, %get3A_1372] {strides = array<i32>} : memref<1280x64xf32, #tpu.memory_space<vmem>>, vector<16xf32>,
        %mul3A_1374 = arith.mulf %get3A_1373, %get3A_193 : vector<16xf32>
        %add3A_1375 = arith.addf %add3A_1370, %mul3A_1374 : vector<16xf32>
        %get3A_1376 = arith.index_cast %add3A_1361 : i32 to index
        %get3A_1377 = arith.constant 48 : index
        %get3A_1378 = tpu.vector_load %arg10[%get3A_1376, %get3A_1377] {strides = array<i32>} : memref<1280x64xf32, #tpu.memory_space<vmem>>, vector<16xf32>,
        %mul3A_1379 = arith.mulf %get3A_1378, %get3A_196 : vector<16xf32>
        %add3A_1380 = arith.addf %add3A_1375, %mul3A_1379 : vector<16xf32>
        %eq3A_1381 = arith.constant 4 : i32
        %eq3A_1382 = vector.broadcast %eq3A_1381 : i32 to vector<16xi32>
        %eq3A_1383 = arith.cmpi eq, %iota3A, %eq3A_1382 : vector<16xi32>
        %reduce_sum3A_1384 = arith.constant true
        %reduce_sum3A_1385 = vector.broadcast %reduce_sum3A_1384 : i1 to vector<16xi1>
        %reduce_sum3A_1386 = tpu.scan <sum>, %add3A_1380 masked %reduce_sum3A_1385 : vector<16xf32>, vector<16xi1> -> vector<16xf32>
        %reduce_sum3A_1387 = vector.extract %reduce_sum3A_1386[15] : f32 from vector<16xf32>
        %broadcast_in_dim3A_1388 = vector.broadcast %reduce_sum3A_1387 : f32 to vector<16xf32>
        %select_n3A_1389 = arith.select %eq3A_1383, %broadcast_in_dim3A_1388, %select_n3A_1357 : vector<16xi1>, vector<16xf32>
        %add3A_1390 = arith.constant 32 : i32
        %add3A_1391 = arith.addi %mul3A_198, %add3A_1390 : i32
        %add3A_1392 = arith.constant 5 : i32
        %add3A_1393 = arith.addi %add3A_1391, %add3A_1392 : i32
        %get3A_1394 = arith.index_cast %add3A_1393 : i32 to index
        %get3A_1395 = arith.constant 0 : index
        %get3A_1396 = tpu.vector_load %arg10[%get3A_1394, %get3A_1395] {strides = array<i32>} : memref<1280x64xf32, #tpu.memory_space<vmem>>, vector<16xf32>,
        %mul3A_1397 = arith.mulf %get3A_1396, %get3A_187 : vector<16xf32>
        %get3A_1398 = arith.index_cast %add3A_1393 : i32 to index
        %get3A_1399 = arith.constant 16 : index
        %get3A_1400 = tpu.vector_load %arg10[%get3A_1398, %get3A_1399] {strides = array<i32>} : memref<1280x64xf32, #tpu.memory_space<vmem>>, vector<16xf32>,
        %mul3A_1401 = arith.mulf %get3A_1400, %get3A_190 : vector<16xf32>
        %add3A_1402 = arith.addf %mul3A_1397, %mul3A_1401 : vector<16xf32>
        %get3A_1403 = arith.index_cast %add3A_1393 : i32 to index
        %get3A_1404 = arith.constant 32 : index
        %get3A_1405 = tpu.vector_load %arg10[%get3A_1403, %get3A_1404] {strides = array<i32>} : memref<1280x64xf32, #tpu.memory_space<vmem>>, vector<16xf32>,
        %mul3A_1406 = arith.mulf %get3A_1405, %get3A_193 : vector<16xf32>
        %add3A_1407 = arith.addf %add3A_1402, %mul3A_1406 : vector<16xf32>
        %get3A_1408 = arith.index_cast %add3A_1393 : i32 to index
        %get3A_1409 = arith.constant 48 : index
        %get3A_1410 = tpu.vector_load %arg10[%get3A_1408, %get3A_1409] {strides = array<i32>} : memref<1280x64xf32, #tpu.memory_space<vmem>>, vector<16xf32>,
        %mul3A_1411 = arith.mulf %get3A_1410, %get3A_196 : vector<16xf32>
        %add3A_1412 = arith.addf %add3A_1407, %mul3A_1411 : vector<16xf32>
        %eq3A_1413 = arith.constant 5 : i32
        %eq3A_1414 = vector.broadcast %eq3A_1413 : i32 to vector<16xi32>
        %eq3A_1415 = arith.cmpi eq, %iota3A, %eq3A_1414 : vector<16xi32>
        %reduce_sum3A_1416 = arith.constant true
        %reduce_sum3A_1417 = vector.broadcast %reduce_sum3A_1416 : i1 to vector<16xi1>
        %reduce_sum3A_1418 = tpu.scan <sum>, %add3A_1412 masked %reduce_sum3A_1417 : vector<16xf32>, vector<16xi1> -> vector<16xf32>
        %reduce_sum3A_1419 = vector.extract %reduce_sum3A_1418[15] : f32 from vector<16xf32>
        %broadcast_in_dim3A_1420 = vector.broadcast %reduce_sum3A_1419 : f32 to vector<16xf32>
        %select_n3A_1421 = arith.select %eq3A_1415, %broadcast_in_dim3A_1420, %select_n3A_1389 : vector<16xi1>, vector<16xf32>
        %add3A_1422 = arith.constant 32 : i32
        %add3A_1423 = arith.addi %mul3A_198, %add3A_1422 : i32
        %add3A_1424 = arith.constant 6 : i32
        %add3A_1425 = arith.addi %add3A_1423, %add3A_1424 : i32
        %get3A_1426 = arith.index_cast %add3A_1425 : i32 to index
        %get3A_1427 = arith.constant 0 : index
        %get3A_1428 = tpu.vector_load %arg10[%get3A_1426, %get3A_1427] {strides = array<i32>} : memref<1280x64xf32, #tpu.memory_space<vmem>>, vector<16xf32>,
        %mul3A_1429 = arith.mulf %get3A_1428, %get3A_187 : vector<16xf32>
        %get3A_1430 = arith.index_cast %add3A_1425 : i32 to index
        %get3A_1431 = arith.constant 16 : index
        %get3A_1432 = tpu.vector_load %arg10[%get3A_1430, %get3A_1431] {strides = array<i32>} : memref<1280x64xf32, #tpu.memory_space<vmem>>, vector<16xf32>,
        %mul3A_1433 = arith.mulf %get3A_1432, %get3A_190 : vector<16xf32>
        %add3A_1434 = arith.addf %mul3A_1429, %mul3A_1433 : vector<16xf32>
        %get3A_1435 = arith.index_cast %add3A_1425 : i32 to index
        %get3A_1436 = arith.constant 32 : index
        %get3A_1437 = tpu.vector_load %arg10[%get3A_1435, %get3A_1436] {strides = array<i32>} : memref<1280x64xf32, #tpu.memory_space<vmem>>, vector<16xf32>,
        %mul3A_1438 = arith.mulf %get3A_1437, %get3A_193 : vector<16xf32>
        %add3A_1439 = arith.addf %add3A_1434, %mul3A_1438 : vector<16xf32>
        %get3A_1440 = arith.index_cast %add3A_1425 : i32 to index
        %get3A_1441 = arith.constant 48 : index
        %get3A_1442 = tpu.vector_load %arg10[%get3A_1440, %get3A_1441] {strides = array<i32>} : memref<1280x64xf32, #tpu.memory_space<vmem>>, vector<16xf32>,
        %mul3A_1443 = arith.mulf %get3A_1442, %get3A_196 : vector<16xf32>
        %add3A_1444 = arith.addf %add3A_1439, %mul3A_1443 : vector<16xf32>
        %eq3A_1445 = arith.constant 6 : i32
        %eq3A_1446 = vector.broadcast %eq3A_1445 : i32 to vector<16xi32>
        %eq3A_1447 = arith.cmpi eq, %iota3A, %eq3A_1446 : vector<16xi32>
        %reduce_sum3A_1448 = arith.constant true
        %reduce_sum3A_1449 = vector.broadcast %reduce_sum3A_1448 : i1 to vector<16xi1>
        %reduce_sum3A_1450 = tpu.scan <sum>, %add3A_1444 masked %reduce_sum3A_1449 : vector<16xf32>, vector<16xi1> -> vector<16xf32>
        %reduce_sum3A_1451 = vector.extract %reduce_sum3A_1450[15] : f32 from vector<16xf32>
        %broadcast_in_dim3A_1452 = vector.broadcast %reduce_sum3A_1451 : f32 to vector<16xf32>
        %select_n3A_1453 = arith.select %eq3A_1447, %broadcast_in_dim3A_1452, %select_n3A_1421 : vector<16xi1>, vector<16xf32>
        %add3A_1454 = arith.constant 32 : i32
        %add3A_1455 = arith.addi %mul3A_198, %add3A_1454 : i32
        %add3A_1456 = arith.constant 7 : i32
        %add3A_1457 = arith.addi %add3A_1455, %add3A_1456 : i32
        %get3A_1458 = arith.index_cast %add3A_1457 : i32 to index
        %get3A_1459 = arith.constant 0 : index
        %get3A_1460 = tpu.vector_load %arg10[%get3A_1458, %get3A_1459] {strides = array<i32>} : memref<1280x64xf32, #tpu.memory_space<vmem>>, vector<16xf32>,
        %mul3A_1461 = arith.mulf %get3A_1460, %get3A_187 : vector<16xf32>
        %get3A_1462 = arith.index_cast %add3A_1457 : i32 to index
        %get3A_1463 = arith.constant 16 : index
        %get3A_1464 = tpu.vector_load %arg10[%get3A_1462, %get3A_1463] {strides = array<i32>} : memref<1280x64xf32, #tpu.memory_space<vmem>>, vector<16xf32>,
        %mul3A_1465 = arith.mulf %get3A_1464, %get3A_190 : vector<16xf32>
        %add3A_1466 = arith.addf %mul3A_1461, %mul3A_1465 : vector<16xf32>
        %get3A_1467 = arith.index_cast %add3A_1457 : i32 to index
        %get3A_1468 = arith.constant 32 : index
        %get3A_1469 = tpu.vector_load %arg10[%get3A_1467, %get3A_1468] {strides = array<i32>} : memref<1280x64xf32, #tpu.memory_space<vmem>>, vector<16xf32>,
        %mul3A_1470 = arith.mulf %get3A_1469, %get3A_193 : vector<16xf32>
        %add3A_1471 = arith.addf %add3A_1466, %mul3A_1470 : vector<16xf32>
        %get3A_1472 = arith.index_cast %add3A_1457 : i32 to index
        %get3A_1473 = arith.constant 48 : index
        %get3A_1474 = tpu.vector_load %arg10[%get3A_1472, %get3A_1473] {strides = array<i32>} : memref<1280x64xf32, #tpu.memory_space<vmem>>, vector<16xf32>,
        %mul3A_1475 = arith.mulf %get3A_1474, %get3A_196 : vector<16xf32>
        %add3A_1476 = arith.addf %add3A_1471, %mul3A_1475 : vector<16xf32>
        %eq3A_1477 = arith.constant 7 : i32
        %eq3A_1478 = vector.broadcast %eq3A_1477 : i32 to vector<16xi32>
        %eq3A_1479 = arith.cmpi eq, %iota3A, %eq3A_1478 : vector<16xi32>
        %reduce_sum3A_1480 = arith.constant true
        %reduce_sum3A_1481 = vector.broadcast %reduce_sum3A_1480 : i1 to vector<16xi1>
        %reduce_sum3A_1482 = tpu.scan <sum>, %add3A_1476 masked %reduce_sum3A_1481 : vector<16xf32>, vector<16xi1> -> vector<16xf32>
        %reduce_sum3A_1483 = vector.extract %reduce_sum3A_1482[15] : f32 from vector<16xf32>
        %broadcast_in_dim3A_1484 = vector.broadcast %reduce_sum3A_1483 : f32 to vector<16xf32>
        %select_n3A_1485 = arith.select %eq3A_1479, %broadcast_in_dim3A_1484, %select_n3A_1453 : vector<16xi1>, vector<16xf32>
        %swap3A_1486 = arith.index_cast %scan3A_185 : i32 to index
        %swap3A_1487 = arith.constant 32 : index
        %swap3A_1488 = tpu.vector_load %arg11[%swap3A_1486, %swap3A_1487] {strides = array<i32>} : memref<32x48xf32, #tpu.memory_space<vmem>>, vector<16xf32>,
        tpu.vector_store %arg11[%swap3A_1486, %swap3A_1487], %select_n3A_1485 {strides = array<i32>} : memref<32x48xf32, #tpu.memory_space<vmem>>, vector<16xf32>,
      }
      %scan3A_184 = arith.constant 32 : i32
      "tpu.region"() ({
        %run_scoped3A = tpu.sem_alloc : memref<!tpu.dma_semaphore, #tpu.memory_space<semaphore_mem>>
        %dma_start3A_185 = arith.constant 0 : i32
        %dma_start3A_186 = tpu.memref_slice %arg6[%multiple_of3A, %dma_start3A_185] : memref<16384x48xf32, #tpu.memory_space<hbm>> -> memref<32x48xf32, #tpu.memory_space<hbm>>
        %dma_start3A_187 = arith.constant 0 : i32
        %dma_start3A_188 = tpu.memref_slice %arg6[%multiple_of3A, %dma_start3A_187] : memref<16384x48xf32, #tpu.memory_space<hbm>> -> memref<32x48xf32, #tpu.memory_space<hbm>>
        tpu.enqueue_dma source(%arg11 : memref<32x48xf32, #tpu.memory_space<vmem>>) target(%dma_start3A_188 : memref<32x48xf32, #tpu.memory_space<hbm>>) target_semaphore(%run_scoped3A : memref<!tpu.dma_semaphore, #tpu.memory_space<semaphore_mem>>)
        %dma_wait3A_189 = arith.constant 0 : i32
        %dma_wait3A_190 = tpu.memref_slice %arg6[%multiple_of3A, %dma_wait3A_189] : memref<16384x48xf32, #tpu.memory_space<hbm>> -> memref<32x48xf32, #tpu.memory_space<hbm>>
        %dma_wait3A_191 = arith.constant 0 : i32
        %dma_wait3A_192 = tpu.memref_slice %arg6[%multiple_of3A, %dma_wait3A_191] : memref<16384x48xf32, #tpu.memory_space<hbm>> -> memref<32x48xf32, #tpu.memory_space<hbm>>
        tpu.wait_dma2 semaphore(%run_scoped3A : memref<!tpu.dma_semaphore, #tpu.memory_space<semaphore_mem>>) src(%arg11 : memref<32x48xf32, #tpu.memory_space<vmem>>) dst(%dma_wait3A_192 : memref<32x48xf32, #tpu.memory_space<hbm>>)
        tpu.yield
      }) : () -> ()
    }
    %scan3A_5 = arith.constant 16 : i32
    return
  }
}

</mosaic_0001>

<sc_bundles>
// kernel: kernel.3.cloned.1.call-start
scs
__scs_entry_jumppad:
0x0: {  	(pc) =	sbr.rel $0x88, $3  }
0x1: {  	(tag) =	ssettag $0x0;
	lr =	simm.s32 $0x1  }
0x2: {  	[smem:$0x3F9C] =	sst lr;
	_ =	strace $0xD0000000  }
0x3: {  	_ = 	snop  }
0x4: {  	_ = 	snop  }
0x5: {  	_ = 	snop  }
0x6: {  	_ = 	snop  }
0x7: {  	_ = 	snop  }
__scs_overlays_trampoline_lowered:
0x8: {  	[smem:$0x3FAB] =	sst s0  }
0x9: {  	[smem:$0x3FAC] =	sst s1  }
0xa: {  	[smem:$0x3FAD] =	sst s2  }
0xb: {  	[smem:$0x3FAE] =	sst s3  }
0xc: {  	[smem:$0x3FAF] =	sst s4  }
0xd: {  	[smem:$0x3FB0] =	sst s5  }
0xe: {  	[smem:$0x3FB1] =	sst s6  }
0xf: {  	[smem:$0x3FB2] =	sst s7  }
0x10: {  	[smem:$0x3FB3] =	sst s8  }
0x11: {  	[smem:$0x3FB4] =	sst s9;
	s0 =	simm.s32 @!p0 $0x0  }
0x12: {  	s1 =	sld [smem:$0x3F9A];
	s0 =	simm.s32 @p0 $0x1  }
0x13: {  	[smem:$0x3FB5] =	sst s0;
	s0 =	simm.s32 @!p1 $0x0  }
0x14: {  	s2 =	sld [smem:$0x3F99];
	s0 =	simm.s32 @p1 $0x1  }
0x15: {  	[smem:$0x3FB6] =	sst s0;
	s0 =	simm.s32 @!p2 $0x0  }
0x16: {  	s3 =	sld [smem:$0x3FDB];
	s0 =	simm.s32 @p2 $0x1  }
0x17: {  	s4 =	simm.s32 $0x1BF5;
	[smem:$0x3FB8] =	sst s0  }
0x18: {  	s0 =	sld [smem:$0x3F9B];
	_ =	swait.ge [sflag:s4], $0x0  }
0x19: {  	s7 =	sld [smem:$0x3F9C]  }
0x1a: {  	s8 =	sadd.s32 $0xFFFFE003, lr  }
0x1b: {  	s9 =	sadd.s32 $0xFFFFFEF7, lr;
	s5 =	simm.s32 $0xFFFFFFFF;
	p2 =	slt.u32 s8, $0xFFFFF086  }
0x1c: {  	p1 =	slt.u32 s9, $0xF7A;
	s5 =	simm.s32 @!p2 $0x0  }
0x1d: {  	s5 =	simm.s32 @p1 $0x1;
	p0 =	seq.s32 s7, s2  }
0x1e: {  	s7 =	smul.u32 @!p0 $0xF7A, s2;
	p2 =	seq.s32 @!p0 s5, $0x0  }
0x1f: {  	s9 =	smul.u32 $0xF7A, s1;
	s8 =	simm.s32 @!p0 $0x1BF5;
	p2 =	por !p2, p0  }
0x20: {  	[sflag:s8] =	ssyncset.s32 @!p0 $0xFFFFF086;
	s6 =	sadd.s32 @!p0 s3, s7;
	s7 =	simm.s32 @!p0 $0x108  }
0x21: {  	s3 =	sadd.s32 s3, s9;
	s6 =	sadd.s32 @!p0 $0x88, s6;
	s7 =	simm.s32 @p2 $0x1082  }
0x22: {  	[simem:s7], [sflag:s8] =	dma.local @!p0 [hbm:s6], $0xF7A  }
0x23: {  	s9 =	sor.u32 $0xD0000000, s2;
	s6 =	simm.s32 $0x108;
	_ =	swait.ge @!p0 [sflag:s8], $0x0  }
0x24: {  	s3 =	sadd.s32 $0x88, s3;
	s6 =	simm.s32 @!p1 $0x1082;
	[sflag:s4] =	ssyncset.s32 $0xFFFFF086  }
0x25: {  	[simem:s6], [sflag:s4] =	dma.local [hbm:s3], $0xF7A  }
0x26: {  	[smem:$0x3F9C] =	sst s1;
	(tag) =	ssettag s2;
	_ =	strace s9  }
0x27: {  	s1 =	sld [smem:$0x3FAC]  }
0x28: {  	s2 =	sld [smem:$0x3FAD]  }
0x29: {  	s4 =	sld [smem:$0x3FAF]  }
0x2a: {  	p0 =	seq.s32 s5, $0x0;
	s5 =	sld [smem:$0x3FB0]  }
0x2b: {  	s6 =	sld [smem:$0x3FB1]  }
0x2c: {  	s7 =	sld [smem:$0x3FB2]  }
0x2d: {  	s3 =	simm.s32 $0x108;
	s8 =	sld [smem:$0x3FB3]  }
0x2e: {  	s3 =	simm.s32 @!p0 $0x1082;
	s9 =	sld [smem:$0x3FB4]  }
0x2f: {  	lr =	sadd.s32 s0, s3;
	s0 =	sld [smem:$0x3FAB]  }
0x30: {  	s3 =	sld [smem:$0x3FAE]  }
0x31: {  	[smem:$0x3FB7] =	sst s10  }
0x32: {  	s10 =	sld [smem:$0x3FB5];
	_ =	sdelay $0x3  }
0x33: {  	p0 =	seq.s32 s10, $0x1;
	s10 =	sld [smem:$0x3FB7];
	_ =	sdelay $0x3  }
0x34: {  	[smem:$0x3FB7] =	sst s10  }
0x35: {  	s10 =	sld [smem:$0x3FB6];
	_ =	sdelay $0x3  }
0x36: {  	p1 =	seq.s32 s10, $0x1;
	s10 =	sld [smem:$0x3FB7];
	_ =	sdelay $0x3  }
0x37: {  	[smem:$0x3FB7] =	sst s10  }
0x38: {  	s10 =	sld [smem:$0x3FB8]  }
0x39: {  	_ = 	snop;
	(pc) =	sbr.ind lr, $3  }
0x3a: {  	_ = 	snop  }
0x3b: {  	_ = 	snop  }
0x3c: {  	p2 =	seq.s32 s10, $0x1;
	s10 =	sld [smem:$0x3FB7]  }
0x3d: {  	_ =	shalt  }
0x3e: {  	_ =	shalt  }
0x3f: {  	_ =	shalt  }
0x40: {  	_ =	shalt  }
0x41: {  	_ =	shalt  }
0x42: {  	_ =	shalt  }
0x43: {  	_ =	shalt  }
0x44: {  	_ =	shalt  }
0x45: {  	_ =	shalt  }
0x46: {  	_ =	shalt  }
0x47: {  	_ =	shalt  }
0x48: {  	_ =	shalt  }
0x49: {  	_ =	shalt  }
0x4a: {  	_ =	shalt  }
0x4b: {  	_ =	shalt  }
0x4c: {  	_ =	shalt  }
0x4d: {  	_ =	shalt  }
0x4e: {  	_ =	shalt  }
0x4f: {  	_ =	shalt  }
0x50: {  	_ =	shalt  }
0x51: {  	_ =	shalt  }
0x52: {  	_ =	shalt  }
0x53: {  	_ =	shalt  }
0x54: {  	_ =	shalt  }
0x55: {  	_ =	shalt  }
0x56: {  	_ =	shalt  }
0x57: {  	_ =	shalt  }
0x58: {  	_ =	shalt  }
0x59: {  	_ =	shalt  }
0x5a: {  	_ =	shalt  }
0x5b: {  	_ =	shalt  }
0x5c: {  	_ =	shalt  }
0x5d: {  	_ =	shalt  }
0x5e: {  	_ =	shalt  }
0x5f: {  	_ =	shalt  }
0x60: {  	_ =	shalt  }
0x61: {  	_ =	shalt  }
0x62: {  	_ =	shalt  }
0x63: {  	_ =	shalt  }
0x64: {  	_ =	shalt  }
0x65: {  	_ =	shalt  }
0x66: {  	_ =	shalt  }
0x67: {  	_ =	shalt  }
0x68: {  	_ =	shalt  }
0x69: {  	_ =	shalt  }
0x6a: {  	_ =	shalt  }
0x6b: {  	_ =	shalt  }
0x6c: {  	_ =	shalt  }
0x6d: {  	_ =	shalt  }
0x6e: {  	_ =	shalt  }
0x6f: {  	_ =	shalt  }
0x70: {  	_ =	shalt  }
0x71: {  	_ =	shalt  }
0x72: {  	_ =	shalt  }
0x73: {  	_ =	shalt  }
0x74: {  	_ =	shalt  }
0x75: {  	_ =	shalt  }
0x76: {  	_ =	shalt  }
0x77: {  	_ =	shalt  }
0x78: {  	_ =	shalt  }
0x79: {  	_ =	shalt  }
0x7a: {  	_ =	shalt  }
0x7b: {  	_ =	shalt  }
0x7c: {  	_ =	shalt  }
0x7d: {  	_ =	shalt  }
0x7e: {  	_ =	shalt  }
0x7f: {  	_ =	shalt  }
0x80: {  	_ =	shalt  }
0x81: {  	_ =	shalt  }
0x82: {  	_ =	shalt  }
0x83: {  	_ =	shalt  }
0x84: {  	_ =	shalt  }
0x85: {  	_ =	shalt  }
0x86: {  	_ =	shalt  }
0x87: {  	_ =	shalt  }
.Lfunc_end0:
.L_simem_size_0:
called_computation_lowered:
.L_overlay_start_0:
0x88: {  	s2 =	sld [smem:$0x3FD9]  }
0x89: {  	s3 =	sld [smem:$0x3FFE];
	_ =	sdelay $0x1  }
0x8a: {  	s1 =	srdreg.scid  }
0x8b: {  	s0 =	sand.u32 $0x1, s1  }
0x8c: {  	s17 =	sshll.u32 s0, $0xA;
	s2 =	sadd.s32 s3, s2  }
0x8d: {  	s2 =	sadd.s32 s2, s17  }
0x8e: {  	[smem:$0x3FC3] =	sst s2  }
0x8f: {  	_ = 	snop  }
0x90: {  	s2 =	sld [smem:$0x3FC9];
	(tm) =	ssettm $0x1  }
0x91: {  	s18 =	sld [smem:$0x3FFB];
	_ =	sdelay $0x3  }
0x92: {  	_ =	strace s18  }
0x93: {  	s3 =	sld [smem:$0x3FFC];
	_ =	sdelay $0x3  }
0x94: {  	_ =	strace s3  }
0x95: {  	s3 =	sld [smem:$0x3FFD];
	_ =	sdelay $0x3  }
0x96: {  	_ =	strace s3  }
0x97: {  	_ =	strace $0x8FFFFFFF  }
0x98: {  	s19 =	sld [smem:$0x3FDB];
	_ =	sdelay $0x1  }
0x99: {  	s4 =	simm.s32 $_scs_section_size  }
0x9a: {  	s5 =	simm.s32 $_size__tile_overlayer_lowered;
	s6 =	simm.s32 $_tile_overlayer_lowered  }
0x9b: {  	s22 =	simm.s32 $0x1BFF;
	s21 =	sshll.u32 s6, $0x1;
	s3 =	sadd.s32 s4, s19  }
0x9c: {  	s7 =	simm.s32 $0x0;
	s20 =	sshll.u32 s5, $0x1;
	s5 =	sadd.s32 s21, s3  }
0x9d: {  	[timem:s7], [sflag:s22] =	dma.local [hbm:s5], s20  }
0x9e: {  	_ =	swait.ge [sflag:s22], s20  }
0x9f: {  	s4 =	ssub.s32 $0x0, s20;
	[sflag:s22] =	ssyncset.done $0x0  }
0xa0: {  	[sflag:s22] =	ssyncadd.s32 s4;
	_ =	sdelay $0x1  }
0xa1: {  	s23 =	simm.s32 $0x1B8B  }
0xa2: {  	_ =	swait.ge [sflag:s23], $0x1  }
0xa3: {  	[sflag:s23] =	ssyncset.done $0x0  }
0xa4: {  	s25 =	simm.s32 $0x1B8E;
	s24 =	sld [smem:$0x3FFE];
	[sflag:s23] =	ssyncadd.s32 $0xFFFFFFFF  }
0xa5: {  	s26 =	simm.s32 $execute0_lowered;
	[smem:$0x3FD2] =	sst s25  }
0xa6: {  	s5 =	sshll.u32 s26, $0x1;
	_ =	strace $0x80000046;
	[dreg:$0x1] =	wrdreg $0xFFFFFFFF  }
0xa7: {  	s28 =	simm.s32 $_size_execute0_lowered;
	s3 =	sadd.s32 s3, s5;
	[dreg:$0x0] =	wrdreg $0x0  }
0xa8: {  	s5 =	sshll.u32 s28, $0x1;
	[dreg:$0x2] =	wrdreg s3  }
0xa9: {  	[dreg:$0x3] =	wrdreg s5  }
0xaa: {  	[dreg:$0x4] =	wrdreg $0xC0  }
0xab: {  	_ =	task [dreg:s7], $0x5FFFF  }
0xac: {  	[dreg:$0x1] =	wrdreg $0xFFFFFFFF  }
0xad: {  	[dreg:$0x0] =	wrdreg $0x60  }
0xae: {  	[dreg:$0x2] =	wrdreg s2  }
0xaf: {  	[dreg:$0x3] =	wrdreg s24  }
0xb0: {  	[dreg:$0x4] =	wrdreg $0x9  }
0xb1: {  	_ =	task.clear_ibuf [dreg:s7], $0x5FFFF;
	_ =	strace $0x90000046  }
0xb2: {  	s29 =	simm.s32 $0x9;
	_ =	strace $0x80000048  }
0xb3: {  	_ =	swait.ge [sflag:s29], $0x1  }
0xb4: {  	[sflag:s29] =	ssyncadd.s32 $0xFFFFFFFF  }
0xb5: {  	_ =	strace $0x90000048  }
0xb6: {  	_ =	sfence  }
0xb7: {  	s30 =	sld [smem:$0x0];
	_ =	sdelay $0x2  }
0xb8: {  	s31 =	sshll.u32 s1, $0xD;
	s1 =	sshrl.u32 s1, $0x2  }
0xb9: {  	s3 =	sand.u32 $0x4000, s31;
	s1 =	sadd.s32 s1, s30  }
0xba: {  	s0 =	sor.u32 s3, s0;
	s1 =	sshll.u32 s1, $0x11  }
0xbb: {  	s0 =	sor.u32 s1, s0  }
0xbc: {  	s0 =	sadd.s32 $0x8F2B, s0  }
0xbd: {  	[sflag:s0] =	ssyncadd.remote.s32 $0x1  }
0xbe: {  	_ =	sfence.sel $0xFFFF  }
0xbf: {  	[dreg:$0x0] =	wrdreg $0xFFFFFFFF;
	(pc) =	sbr.abs _section_cstart, $3  }
0xc0: {  	[dreg:$0x1] =	wrdreg $0xFFFFFFFF  }
0xc1: {  	_ =	task.clear_ibuf [dreg:s7], $0x2FFFF;
	_ =	strace $0x9FFFFFFF  }
0xc2: {  	(tm) =	ssettm $0x7FFFFFFF  }
0xc3: {  	_ =	shalt  }
tec
execute0_lowered:
.L_overlay_start_1:
0x0: {  	(tag) =	ssettag $0x1  }
0x1: {  	s0 =	rddreg [dreg:$0x1]  }
0x2: {  	s1 =	simm.s32 $0x0;
	s25 =	srdreg.scid;
	s7 =	stileid.u32  }
0x3: {  	s10 =	simm.s32 $0x2;
	s11 =	simm.s32 $0x20;
	s13 =	simm.s32 $0x80  }
0x4: {  	s18 =	simm.s32 $0x4D20;
	s19 =	simm.s32 $0x1A0;
	s20 =	simm.s32 $0x6D20  }
0x5: {  	s21 =	simm.s32 $0x220;
	s22 =	simm.s32 $0x8D20;
	s23 =	simm.s32 $0x2A0  }
0x6: {  	s24 =	simm.s32 $0xAD20;
	s28 =	simm.s32 $0x3A0;
	s29 =	simm.s32 $0xED20  }
0x7: {  	s30 =	simm.s32 $0x420;
	s31 =	simm.s32 $0x10D20;
	s9 =	simm.s32 $0x1  }
0x8: {  	s12 =	simm.s32 $0x0;
	[smem:$0x7FF] =	sst s1;
	s4 =	sadd.s32 $0xA00, s0  }
0x9: {  	s5 =	sadd.s32 $0x16E4000, s0;
	s1 =	sand.u32 $0x1, s25;
	s6 =	sadd.s32 $0xF42E00, s0  }
0xa: {  	vm0 =	vmmov $0x1;
	vm1 =	vmmov $0x3;
	vm2 =	vmmov $0x7;
	s8 =	sshll.u32 s7, $0xA;
	s7 =	sadd.s32 $0x14A00, s0;
	s2 =	ssub.s32 $0x2, s1  }
0xb: {  	vm3 =	vmmov $0xf;
	vm4 =	vmmov $0x1f;
	vm5 =	vmmov $0x3f;
	s25 =	simm.s32 $0x320;
	s1 =	sshll.u32 s1, $0x9;
	s3 =	sshrl.u32 s2, $0x1  }
0xc: {  	vm6 =	vmmov $0x7f;
	vm7 =	vmmov $0xff;
	vm8 =	vmmov $0x1ff;
	_ =	strace $0x80000047;
	s8 =	sor.u32 s1, s8;
	s26 =	ssub.s32 s2, s3  }
0xd: {  	vm9 =	vmmov $0x3ff;
	vm10 =	vmmov $0x7ff;
	vm11 =	vmmov $0xfff;
	s1 =	simm.s32 $0x14D20;
	s3 =	simm.s32 $0x12D20;
	s0 =	smax.u32 s26, $0x1  }
0xe: {  	vm12 =	vmmov $0x1fff;
	vm13 =	vmmov $0x3fff;
	vm14 =	vmmov $0x7fff;
	s26 =	simm.s32 $0xCD20;
	[dreg:$0x3] =	wrdreg s0;
	s0 =	simm.s32 $0x4A0  }
.LBB2_1:
0xf: {  	[dreg:$0x4] =	wrdreg s12;
	s2 =	simm.s32 $0x0  }
.LBB2_2:
0x10: {  	s12 =	sshll.u32 s2, $0x5  }
0x11: {  	s12 =	sadd.s32 s8, s12  }
0x12: {  	s15 =	rddreg [dreg:$0x0];
	s14 =	sshrl.u32 s12, $0x3  }
0x13: {  	s15 =	sadd.s32 s15, s14;
	s14 =	simm.s32 $0x0  }
0x14: {  	[tilespmem:s14], [sflag:$0x2] =	stream.linear.gather [hbm4b:s15+s14], $0x20, $0x38;
	[tilespmem:$0x15320] =	vst v63  }
0x15: {  	s16 =	smul.u32 $0x5, s12;
	_ =	swait.ge [sflag:s10], $0x20  }
0x16: {  	[sflag:s10] =	ssyncset.done $0x0  }
0x17: {  	s15 =	sadd.s32 s4, s16;
	[sflag:s10] =	ssyncadd.s32 $0xFFFFFFE0  }
0x18: {  	[tilespmem:s11], [sflag:$0x2] =	stream.linear.gather [hbm4b:s15+s14], $0x500, $0x38;
	[tilespmem:$0x15320] =	vst v63  }
0x19: {  	_ =	swait.ge [sflag:s10], $0x500  }
0x1a: {  	[sflag:s10] =	ssyncset.done $0x0  }
0x1b: {  	s17 =	simm.s32 $0x520;
	[sflag:s10] =	ssyncadd.s32 $0xFFFFFB00  }
0x1c: {  	[tilespmem:s17], [sflag:$0x1] =	stream.indirect.gather [hbm4b:s5+s11], $0x40, s14, s11, $0xb8;
	[tilespmem:$0x15320] =	vst v63  }
0x1d: {  	s16 =	simm.s32 $0xD20  }
0x1e: {  	[tilespmem:s16], [sflag:$0x1] =	stream.indirect.gather [hbm4b:s6+s13], $0x40, s11, s13, $0xb8;
	[tilespmem:$0x15320] =	vst v63  }
0x1f: {  	s17 =	simm.s32 $0xA0;
	s16 =	simm.s32 $0x2D20  }
0x20: {  	[tilespmem:s16], [sflag:$0x1] =	stream.indirect.gather [hbm4b:s6+s13], $0x40, s17, s13, $0xb8;
	[tilespmem:$0x15320] =	vst v63  }
0x21: {  	s17 =	simm.s32 $0x120  }
0x22: {  	[tilespmem:s18], [sflag:$0x1] =	stream.indirect.gather [hbm4b:s6+s13], $0x40, s17, s13, $0xb8;
	[tilespmem:$0x15320] =	vst v63  }
0x23: {  	_ = 	snop  }
0x24: {  	[tilespmem:s20], [sflag:$0x1] =	stream.indirect.gather [hbm4b:s6+s13], $0x40, s19, s13, $0xb8;
	[tilespmem:$0x15320] =	vst v63  }
0x25: {  	_ = 	snop  }
0x26: {  	[tilespmem:s22], [sflag:$0x1] =	stream.indirect.gather [hbm4b:s6+s13], $0x40, s21, s13, $0xb8;
	[tilespmem:$0x15320] =	vst v63  }
0x27: {  	_ = 	snop  }
0x28: {  	[tilespmem:s24], [sflag:$0x1] =	stream.indirect.gather [hbm4b:s6+s13], $0x40, s23, s13, $0xb8;
	[tilespmem:$0x15320] =	vst v63  }
0x29: {  	_ = 	snop  }
0x2a: {  	[tilespmem:s26], [sflag:$0x1] =	stream.indirect.gather [hbm4b:s6+s13], $0x40, s25, s13, $0xb8;
	[tilespmem:$0x15320] =	vst v63  }
0x2b: {  	_ = 	snop  }
0x2c: {  	[tilespmem:s29], [sflag:$0x1] =	stream.indirect.gather [hbm4b:s6+s13], $0x40, s28, s13, $0xb8;
	[tilespmem:$0x15320] =	vst v63  }
0x2d: {  	_ = 	snop  }
0x2e: {  	[tilespmem:s31], [sflag:$0x1] =	stream.indirect.gather [hbm4b:s6+s13], $0x40, s30, s13, $0xb8;
	[tilespmem:$0x15320] =	vst v63  }
0x2f: {  	_ = 	snop  }
0x30: {  	[tilespmem:s3], [sflag:$0x1] =	stream.indirect.gather [hbm4b:s6+s13], $0x40, s0, s13, $0xb8;
	[tilespmem:$0x15320] =	vst v63  }
0x31: {  	_ =	swait.ge [sflag:s9], $0x800  }
0x32: {  	[sflag:s9] =	ssyncset.done $0x0  }
0x33: {  	[sflag:s9] =	ssyncadd.s32 $0xFFFFF800  }
0x34: {  	_ =	swait.ge [sflag:s9], $0x2000  }
0x35: {  	[sflag:s9] =	ssyncset.done $0x0  }
0x36: {  	[sflag:s9] =	ssyncadd.s32 $0xFFFFE000  }
0x37: {  	_ =	swait.ge [sflag:s9], $0x2000  }
0x38: {  	[sflag:s9] =	ssyncset.done $0x0  }
0x39: {  	[sflag:s9] =	ssyncadd.s32 $0xFFFFE000  }
0x3a: {  	_ =	swait.ge [sflag:s9], $0x2000  }
0x3b: {  	[sflag:s9] =	ssyncset.done $0x0  }
0x3c: {  	[sflag:s9] =	ssyncadd.s32 $0xFFFFE000  }
0x3d: {  	_ =	swait.ge [sflag:s9], $0x2000  }
0x3e: {  	[sflag:s9] =	ssyncset.done $0x0  }
0x3f: {  	[sflag:s9] =	ssyncadd.s32 $0xFFFFE000  }
0x40: {  	_ =	swait.ge [sflag:s9], $0x2000  }
0x41: {  	[sflag:s9] =	ssyncset.done $0x0  }
0x42: {  	[sflag:s9] =	ssyncadd.s32 $0xFFFFE000  }
0x43: {  	_ =	swait.ge [sflag:s9], $0x2000  }
0x44: {  	[sflag:s9] =	ssyncset.done $0x0  }
0x45: {  	[sflag:s9] =	ssyncadd.s32 $0xFFFFE000  }
0x46: {  	_ =	swait.ge [sflag:s9], $0x2000  }
0x47: {  	[sflag:s9] =	ssyncset.done $0x0  }
0x48: {  	[sflag:s9] =	ssyncadd.s32 $0xFFFFE000  }
0x49: {  	_ =	swait.ge [sflag:s9], $0x2000  }
0x4a: {  	[sflag:s9] =	ssyncset.done $0x0  }
0x4b: {  	[sflag:s9] =	ssyncadd.s32 $0xFFFFE000  }
0x4c: {  	_ =	swait.ge [sflag:s9], $0x2000  }
0x4d: {  	[sflag:s9] =	ssyncset.done $0x0  }
0x4e: {  	[sflag:s9] =	ssyncadd.s32 $0xFFFFE000  }
0x4f: {  	_ =	swait.ge [sflag:s9], $0x2000  }
0x50: {  	[sflag:s9] =	ssyncset.done $0x0  }
0x51: {  	s15 =	simm.s32 $0x1220;
	s16 =	simm.s32 $0x540;
	[sflag:s9] =	ssyncadd.s32 $0xFFFFE000  }
.LBB2_3:
0x52: {  	v2 =	vld [tilespmem:s16+$0xFFFFFFE0]  }
0x53: {  	v3 =	vld [tilespmem:s16+$0xFFFFFFF0]  }
0x54: {  	v1 =	vld [tilespmem:s16+$0x0]  }
0x55: {  	v0 =	vld [tilespmem:s16+$0x10]  }
0x56: {  	v4 =	vld [tilespmem:s15+$0xFFFFFB00]  }
0x57: {  	v5 =	vld [tilespmem:s15+$0xFFFFFB10]  }
0x58: {  	v6 =	vld [tilespmem:s15+$0xFFFFFB20]  }
0x59: {  	v7 =	vld [tilespmem:s15+$0xFFFFFB30]  }
0x5a: {  	v8 =	vld [tilespmem:s15+$0xFFFFFB40]  }
0x5b: {  	v9 =	vld [tilespmem:s15+$0xFFFFFB50]  }
0x5c: {  	v10 =	vld [tilespmem:s15+$0xFFFFFB60]  }
0x5d: {  	v11 =	vld [tilespmem:s15+$0xFFFFFB70]  }
0x5e: {  	v12 =	vld [tilespmem:s15+$0xFFFFFB80]  }
0x5f: {  	v13 =	vld [tilespmem:s15+$0xFFFFFB90]  }
0x60: {  	v14 =	vld [tilespmem:s15+$0xFFFFFBA0]  }
0x61: {  	v15 =	vld [tilespmem:s15+$0xFFFFFBB0]  }
0x62: {  	v16 =	vld [tilespmem:s15+$0xFFFFFBC0]  }
0x63: {  	v17 =	vld [tilespmem:s15+$0xFFFFFBD0]  }
0x64: {  	v18 =	vld [tilespmem:s15+$0xFFFFFBE0]  }
0x65: {  	v19 =	vld [tilespmem:s15+$0xFFFFFBF0]  }
0x66: {  	v20 =	vld [tilespmem:s15+$0xFFFFFC00]  }
0x67: {  	v21 =	vld [tilespmem:s15+$0xFFFFFC10]  }
0x68: {  	v22 =	vld [tilespmem:s15+$0xFFFFFC20]  }
0x69: {  	v23 =	vld [tilespmem:s15+$0xFFFFFC30]  }
0x6a: {  	v24 =	vld [tilespmem:s15+$0xFFFFFC40]  }
0x6b: {  	v25 =	vld [tilespmem:s15+$0xFFFFFC50]  }
0x6c: {  	v26 =	vld [tilespmem:s15+$0xFFFFFC60]  }
0x6d: {  	v27 =	vld [tilespmem:s15+$0xFFFFFC70]  }
0x6e: {  	v28 =	vld [tilespmem:s15+$0xFFFFFC80]  }
0x6f: {  	v29 =	vld [tilespmem:s15+$0xFFFFFC90]  }
0x70: {  	v30 =	vld [tilespmem:s15+$0xFFFFFCA0]  }
0x71: {  	v31 =	vld [tilespmem:s15+$0xFFFFFCB0];
	v4 =	vmul.f32 v4, v2;
	v5 =	vmul.f32 v5, v3  }
0x72: {  	v32 =	vld [tilespmem:s15+$0xFFFFFCC0];
	v41 =	vmul.f32 v6, v1;
	v8 =	vmul.f32 v8, v2  }
0x73: {  	v33 =	vld [tilespmem:s15+$0xFFFFFCD0];
	v9 =	vmul.f32 v9, v3;
	v43 =	vmul.f32 v12, v2  }
0x74: {  	v34 =	vld [tilespmem:s15+$0xFFFFFCE0];
	v44 =	vmul.f32 v13, v3;
	v7 =	vmul.f32 v7, v0  }
0x75: {  	v35 =	vld [tilespmem:s15+$0xFFFFFCF0];
	v45 =	vmul.f32 v10, v1;
	v11 =	vmul.f32 v11, v0  }
0x76: {  	v42 =	vld [tilespmem:s15+$0xFFFFFD00];
	v46 =	vmul.f32 v14, v1;
	v47 =	vmul.f32 v16, v2  }
0x77: {  	v36 =	vld [tilespmem:s15+$0xFFFFFD10];
	v48 =	vmul.f32 v17, v3;
	v49 =	vmul.f32 v15, v0  }
0x78: {  	v53 =	vld [tilespmem:s15+$0xFFFFFD80];
	v50 =	vmul.f32 v18, v1;
	v51 =	vmul.f32 v20, v2  }
0x79: {  	v56 =	vld [tilespmem:s15+$0xFFFFFD90];
	v52 =	vmul.f32 v21, v3;
	v54 =	vmul.f32 v24, v2  }
0x7a: {  	v61 =	vld [tilespmem:s15+$0xFFFFFDC0];
	v55 =	vmul.f32 v25, v3;
	v19 =	vmul.f32 v19, v0  }
0x7b: {  	v63 =	vld [tilespmem:s15+$0xFFFFFDD0];
	v57 =	vmul.f32 v22, v1;
	v23 =	vmul.f32 v23, v0  }
0x7c: {  	v38 =	vld [tilespmem:s15+$0xFFFFFDE0];
	v58 =	vmul.f32 v26, v1;
	v59 =	vmul.f32 v28, v2  }
0x7d: {  	v13 =	vld [tilespmem:s15+$0xFFFFFD20];
	v60 =	vmul.f32 v29, v3;
	v62 =	vmul.f32 v27, v0  }
0x7e: {  	v10 =	vld [tilespmem:s15+$0xFFFFFD30];
	v37 =	vmul.f32 v30, v1;
	v39 =	vmul.f32 v32, v2  }
0x7f: {  	v14 =	vld [tilespmem:s15+$0xFFFFFD40];
	v40 =	vmul.f32 v33, v3;
	v6 =	vmul.f32 v42, v2  }
0x80: {  	v17 =	vld [tilespmem:s15+$0xFFFFFD50];
	v42 =	vmul.f32 v36, v3;
	v4 =	vadd.f32 v5, v4;
	v8 =	vadd.f32 v9, v8  }
0x81: {  	v12 =	vld [tilespmem:s15+$0xFFFFFD60];
	v20 =	vmul.f32 v63, v3;
	v5 =	vadd.f32 v44, v43;
	v9 =	vadd.f32 v48, v47  }
0x82: {  	v15 =	vld [tilespmem:s15+$0xFFFFFD70];
	v16 =	vadd.f32 v60, v59;
	v44 =	vmul.f32 v31, v0;
	v6 =	vadd.f32 v42, v6  }
0x83: {  	v24 =	vld [tilespmem:s15+$0xFFFFFDB0];
	v47 =	vmul.f32 v35, v0;
	v4 =	vadd.f32 v41, v4;
	v8 =	vadd.f32 v45, v8  }
0x84: {  	v22 =	vld [tilespmem:s15+$0xFFFFFDA0];
	v5 =	vadd.f32 v46, v5;
	v9 =	vadd.f32 v50, v9;
	v45 =	vmul.f32 v34, v1  }
0x85: {  	v36 =	vld [tilespmem:s15+$0xFFFFFEC0];
	v16 =	vadd.f32 v37, v16;
	v13 =	vmul.f32 v13, v1;
	v14 =	vmul.f32 v14, v2  }
0x86: {  	v43 =	vld [tilespmem:s15+$0xFFFFFE00];
	v17 =	vmul.f32 v17, v3;
	v10 =	vmul.f32 v10, v0;
	v4 =	vadd.f32 v7, v4  }
0x87: {  	v48 =	vld [tilespmem:s15+$0xFFFFFE20];
	v12 =	vmul.f32 v12, v1;
	v8 =	vadd.f32 v11, v8;
	v5 =	vadd.f32 v49, v5  }
0x88: {  	v59 =	vld [tilespmem:s15+$0xFFFFFE80];
	v60 =	vmul.f32 v24, v0;
	v7 =	vadd.f32 v52, v51;
	v11 =	vadd.f32 v55, v54  }
0x89: {  	v41 =	vld [tilespmem:s15+$0xFFFFFDF0];
	v9 =	vadd.f32 v19, v9;
	v19 =	vadd.f32 v40, v39;
	v52 =	vmul.f32 v53, v2  }
0x8a: {  	v46 =	vld [tilespmem:s15+$0xFFFFFE10];
	v16 =	vadd.f32 v44, v16;
	v53 =	vmul.f32 v56, v3;
	v55 =	vmul.f32 v61, v2  }
0x8b: {  	v50 =	vld [tilespmem:s15+$0xFFFFFE40];
	v61 =	vmul.f32 v38, v1;
	v6 =	vadd.f32 v13, v6;
	v14 =	vadd.f32 v17, v14  }
0x8c: {  	v49 =	vld [tilespmem:s15+$0xFFFFFE30];
	v30 =	vmul.f32 v43, v2;
	v38 =	vmul.f32 v48, v1;
	v7 =	vadd.f32 v57, v7  }
0x8d: {  	v51 =	vld [tilespmem:s15+$0xFFFFFE50];
	v43 =	vmul.f32 v59, v2;
	v11 =	vadd.f32 v58, v11;
	v19 =	vadd.f32 v45, v19  }
0x8e: {  	v54 =	vld [tilespmem:s15+$0xFFFFFE60];
	(xrf2) =	vadd.scan.msk.f32 $0xffff, v4;
	v57 =	vmul.f32 v15, v0;
	v6 =	vadd.f32 v10, v6;
	v12 =	vadd.f32 v12, v14  }
0x8f: {  	v58 =	vmul.f32 v22, v1;
	v10 =	vadd.f32 v53, v52;
	(xrf2) =	vadd.scan.msk.f32 $0xffff, v8;
	v11 =	vadd.f32 v62, v11;
	v62 =	vld [tilespmem:s15+$0xFFFFFE90]  }
0x90: {  	v56 =	vld [tilespmem:s15+$0xFFFFFE70];
	v14 =	vadd.f32 v20, v55;
	v32 =	vmul.f32 v46, v3;
	v7 =	vadd.f32 v23, v7;
	(xrf2) =	vadd.scan.msk.f32 $0xffff, v5  }
0x91: {  	v33 =	vld [tilespmem:s15+$0xFFFFFEA0];
	v35 =	vmul.f32 v41, v0;
	v40 =	vmul.f32 v50, v2;
	v19 =	vadd.f32 v47, v19;
	(xrf2) =	vadd.scan.msk.f32 $0xffff, v9  }
0x92: {  	v39 =	vld [tilespmem:s15+$0xFFFFFED0];
	v52 =	vmul.f32 v36, v2;
	v63 =	vadd.f32 v58, v10;
	v4 =	vadd.f32 v57, v12;
	(xrf2) =	vadd.scan.msk.f32 $0xffff, v7  }
0x93: {  	v42 =	vld [tilespmem:s15+$0xFFFFFEB0];
	v34 =	vadd.f32 v61, v14;
	v41 =	vmul.f32 v51, v3;
	v46 =	vmul.f32 v49, v0;
	(xrf2) =	vadd.scan.msk.f32 $0xffff, v11  }
0x94: {  	v45 =	vld [tilespmem:s15+$0xFFFFFEE0];
	v37 =	vadd.f32 v32, v30;
	v47 =	vmul.f32 v54, v1;
	(xrf2) =	vadd.scan.msk.f32 $0xffff, v16;
	v44 =	vmul.f32 v62, v3  }
0x95: {  	v48 =	vmul.f32 v56, v0;
	v5 =	vadd.f32 v60, v63;
	v11 =	vadd.f32 v41, v40;
	(xrf2) =	vadd.scan.msk.f32 $0xffff, v19  }
0x96: {  	v50 =	vld [tilespmem:s15+$0xFFFFFEF0];
	v49 =	vmul.f32 v33, v1;
	v7 =	vadd.f32 v38, v37;
	(xrf2) =	vadd.scan.msk.f32 $0xffff, v6;
	v8 =	vadd.f32 v44, v43  }
0x97: {  	v10 =	vmul.f32 v39, v3;
	v9 =	vadd.f32 v35, v34;
	v51 =	vadd.f32 v47, v11;
	(xrf2) =	vadd.scan.msk.f32 $0xffff, v4  }
0x98: {  	v56 =	vmul.f32 v42, v0;
	v54 =	vadd.f32 v46, v7;
	v53, _, _ =	vpop (xrf2);
	(xrf2) =	vadd.scan.msk.f32 $0xffff, v5;
	v55 =	vadd.f32 v49, v8  }
0x99: {  	v58 =	vadd.f32 v10, v52;
	v59 =	vmul.f32 v45, v1;
	v4 =	vadd.f32 v48, v51;
	v57, _, _ =	vpop (xrf2);
	(xrf2) =	vadd.scan.msk.f32 $0xffff, v9  }
0x9a: {  	v60 =	vbroadcast v53, $0xF;
	v61 =	vbroadcast v57, $0xF;
	v62, _, _ =	vpop (xrf2);
	(xrf2) =	vadd.scan.msk.f32 $0xffff, v54;
	v63 =	vadd.f32 v56, v55  }
0x9b: {  	v16 =	vmul.f32 v50, v0;
	v15 =	vadd.f32 v59, v58;
	v13 =	vbroadcast v62, $0xF;
	v14, _, _ =	vpop (xrf2);
	(xrf2) =	vadd.scan.msk.f32 $0xffff, v4  }
0x9c: {  	v17 =	vsel vm0, v60, v61;
	v8 =	vbroadcast v14, $0xF;
	v18, _, _ =	vpop (xrf2);
	(xrf2) =	vadd.scan.msk.f32 $0xffff, v63  }
0x9d: {  	v4 =	vadd.f32 v16, v15;
	v19 =	vsel vm1, v17, v13;
	v20 =	vbroadcast v18, $0xF;
	v21, _, _ =	vpop (xrf2)  }
0x9e: {  	v5 =	vsel vm2, v19, v8;
	v22 =	vbroadcast v21, $0xF;
	v23, _, _ =	vpop (xrf2)  }
0x9f: {  	(xrf2) =	vadd.scan.msk.f32 $0xffff, v4;
	v5 =	vsel vm3, v5, v20;
	v24 =	vbroadcast v23, $0xF;
	v25, _, _ =	vpop (xrf2)  }
0xa0: {  	v26 =	vsel vm4, v5, v22;
	v27 =	vbroadcast v25, $0xF;
	v28, _, _ =	vpop (xrf2)  }
0xa1: {  	v4 =	vsel vm5, v26, v24;
	v6 =	vbroadcast v28, $0xF;
	v29, _, _ =	vpop (xrf2)  }
0xa2: {  	v4 =	vsel vm6, v4, v27;
	v30 =	vbroadcast v29, $0xF;
	v31, _, _ =	vpop (xrf2)  }
0xa3: {  	v4 =	vsel vm7, v4, v6;
	v32 =	vbroadcast v31, $0xF;
	v33, _, _ =	vpop (xrf2)  }
0xa4: {  	v4 =	vsel vm8, v4, v30;
	v34 =	vbroadcast v33, $0xF;
	v35, _, _ =	vpop (xrf2)  }
0xa5: {  	v4 =	vsel vm9, v4, v32;
	v36 =	vbroadcast v35, $0xF;
	v37, _, _ =	vpop (xrf2)  }
0xa6: {  	v4 =	vsel vm10, v4, v34;
	v38 =	vbroadcast v37, $0xF;
	v39, _, _ =	vpop (xrf2)  }
0xa7: {  	v4 =	vsel vm11, v4, v36;
	v40 =	vbroadcast v39, $0xF  }
0xa8: {  	v4 =	vsel vm12, v4, v38  }
0xa9: {  	v41, _, _ =	vpop (xrf2);
	v4 =	vsel vm13, v4, v40  }
0xaa: {  	s17 =	sshra.s32 s14, $0x2;
	v4 =	vsel vm14, v4, v41  }
0xab: {  	[tilespmem:s17+$0x14D20] =	vst v4  }
0xac: {  	v4 =	vld [tilespmem:s15+$0xFFFFFF00]  }
0xad: {  	v42 =	vld [tilespmem:s15+$0xFFFFFF10]  }
0xae: {  	v43 =	vld [tilespmem:s15+$0xFFFFFF20]  }
0xaf: {  	v7 =	vld [tilespmem:s15+$0xFFFFFF30]  }
0xb0: {  	v44 =	vld [tilespmem:s15+$0xFFFFFF40]  }
0xb1: {  	v45 =	vld [tilespmem:s15+$0xFFFFFF50]  }
0xb2: {  	v46 =	vld [tilespmem:s15+$0xFFFFFF60]  }
0xb3: {  	v47 =	vld [tilespmem:s15+$0xFFFFFF70]  }
0xb4: {  	v48 =	vld [tilespmem:s15+$0xFFFFFF80]  }
0xb5: {  	v49 =	vld [tilespmem:s15+$0xFFFFFF90]  }
0xb6: {  	v50 =	vld [tilespmem:s15+$0xFFFFFFA0]  }
0xb7: {  	v51 =	vld [tilespmem:s15+$0xFFFFFFB0]  }
0xb8: {  	v52 =	vld [tilespmem:s15+$0xFFFFFFC0]  }
0xb9: {  	v53 =	vld [tilespmem:s15+$0xFFFFFFD0]  }
0xba: {  	v54 =	vld [tilespmem:s15+$0xFFFFFFE0]  }
0xbb: {  	v19 =	vld [tilespmem:s15+$0xFFFFFFF0]  }
0xbc: {  	v55 =	vld [tilespmem:s15+$0x0]  }
0xbd: {  	v56 =	vld [tilespmem:s15+$0x10]  }
0xbe: {  	v57 =	vld [tilespmem:s15+$0x20]  }
0xbf: {  	v58 =	vld [tilespmem:s15+$0x30]  }
0xc0: {  	v59 =	vld [tilespmem:s15+$0x40]  }
0xc1: {  	v60 =	vld [tilespmem:s15+$0x50]  }
0xc2: {  	v61 =	vld [tilespmem:s15+$0x60]  }
0xc3: {  	v27 =	vld [tilespmem:s15+$0x70]  }
0xc4: {  	v62 =	vld [tilespmem:s15+$0x80]  }
0xc5: {  	v63 =	vld [tilespmem:s15+$0x90]  }
0xc6: {  	v30 =	vld [tilespmem:s15+$0xA0];
	v4 =	vmul.f32 v4, v2  }
0xc7: {  	v31 =	vld [tilespmem:s15+$0xB0];
	v5 =	vmul.f32 v42, v3;
	v41 =	vmul.f32 v43, v1  }
0xc8: {  	v32 =	vld [tilespmem:s15+$0xC0];
	v8 =	vmul.f32 v44, v2;
	v9 =	vmul.f32 v45, v3  }
0xc9: {  	v40 =	vld [tilespmem:s15+$0xD0];
	v43 =	vmul.f32 v48, v2;
	v44 =	vmul.f32 v49, v3  }
0xca: {  	v34 =	vld [tilespmem:s15+$0xE0];
	v7 =	vmul.f32 v7, v0;
	v45 =	vmul.f32 v46, v1  }
0xcb: {  	v35 =	vld [tilespmem:s15+$0xF0];
	v11 =	vmul.f32 v47, v0;
	v46 =	vmul.f32 v50, v1  }
0xcc: {  	v6 =	vld [tilespmem:s15+$0x100];
	v47 =	vmul.f32 v52, v2;
	v48 =	vmul.f32 v53, v3  }
0xcd: {  	v13 =	vld [tilespmem:s15+$0x120];
	v49 =	vmul.f32 v51, v0;
	v50 =	vmul.f32 v54, v1  }
0xce: {  	v10 =	vld [tilespmem:s15+$0x130];
	v51 =	vmul.f32 v55, v2;
	v52 =	vmul.f32 v56, v3  }
0xcf: {  	v14 =	vld [tilespmem:s15+$0x140];
	v54 =	vmul.f32 v59, v2;
	v55 =	vmul.f32 v60, v3  }
0xd0: {  	v17 =	vld [tilespmem:s15+$0x150];
	v19 =	vmul.f32 v19, v0;
	v57 =	vmul.f32 v57, v1  }
0xd1: {  	v12 =	vld [tilespmem:s15+$0x160];
	v23 =	vmul.f32 v58, v0;
	v58 =	vmul.f32 v61, v1  }
0xd2: {  	v15 =	vld [tilespmem:s15+$0x170];
	v59 =	vmul.f32 v62, v2;
	v60 =	vmul.f32 v63, v3  }
0xd3: {  	v22 =	vld [tilespmem:s15+$0x1A0];
	v62 =	vmul.f32 v27, v0;
	v37 =	vmul.f32 v30, v1  }
0xd4: {  	v24 =	vld [tilespmem:s15+$0x1B0];
	v39 =	vmul.f32 v32, v2;
	v40 =	vmul.f32 v40, v3  }
0xd5: {  	v38 =	vld [tilespmem:s15+$0x1E0];
	v6 =	vmul.f32 v6, v2;
	v13 =	vmul.f32 v13, v1  }
0xd6: {  	v42 =	vld [tilespmem:s15+$0x110];
	v14 =	vmul.f32 v14, v2;
	v17 =	vmul.f32 v17, v3  }
0xd7: {  	v53 =	vld [tilespmem:s15+$0x180];
	v10 =	vmul.f32 v10, v0;
	v4 =	vadd.f32 v5, v4;
	v8 =	vadd.f32 v9, v8  }
0xd8: {  	v56 =	vld [tilespmem:s15+$0x190];
	v12 =	vmul.f32 v12, v1;
	v5 =	vadd.f32 v44, v43;
	v9 =	vadd.f32 v48, v47  }
0xd9: {  	v63 =	vld [tilespmem:s15+$0x1D0];
	v16 =	vadd.f32 v60, v59;
	v44 =	vmul.f32 v31, v0;
	v14 =	vadd.f32 v17, v14  }
0xda: {  	v61 =	vld [tilespmem:s15+$0x1C0];
	v47 =	vmul.f32 v35, v0;
	v4 =	vadd.f32 v41, v4;
	v8 =	vadd.f32 v45, v8  }
0xdb: {  	v43 =	vld [tilespmem:s15+$0x200];
	v60 =	vmul.f32 v24, v0;
	v5 =	vadd.f32 v46, v5;
	v9 =	vadd.f32 v50, v9  }
0xdc: {  	v48 =	vld [tilespmem:s15+$0x220];
	v16 =	vadd.f32 v37, v16;
	v45 =	vmul.f32 v34, v1;
	v12 =	vadd.f32 v12, v14  }
0xdd: {  	v59 =	vld [tilespmem:s15+$0x280];
	v42 =	vmul.f32 v42, v3;
	v4 =	vadd.f32 v7, v4;
	v8 =	vadd.f32 v11, v8  }
0xde: {  	v32 =	vld [tilespmem:s15+$0x2A0];
	v20 =	vmul.f32 v63, v3;
	v5 =	vadd.f32 v49, v5;
	v7 =	vadd.f32 v52, v51  }
0xdf: {  	v41 =	vld [tilespmem:s15+$0x1F0];
	v11 =	vadd.f32 v55, v54;
	v9 =	vadd.f32 v19, v9;
	v52 =	vmul.f32 v53, v2  }
0xe0: {  	v46 =	vld [tilespmem:s15+$0x210];
	v19 =	vadd.f32 v40, v39;
	v53 =	vmul.f32 v56, v3;
	v55 =	vmul.f32 v61, v2  }
0xe1: {  	v50 =	vld [tilespmem:s15+$0x240];
	v16 =	vadd.f32 v44, v16;
	v61 =	vmul.f32 v38, v1;
	v30 =	vmul.f32 v43, v2  }
0xe2: {  	v49 =	vld [tilespmem:s15+$0x230];
	v6 =	vadd.f32 v42, v6;
	v37 =	vmul.f32 v48, v1;
	v42 =	vmul.f32 v59, v2  }
0xe3: {  	v51 =	vld [tilespmem:s15+$0x250];
	v48 =	vmul.f32 v32, v1;
	v7 =	vadd.f32 v57, v7;
	v11 =	vadd.f32 v58, v11  }
0xe4: {  	v54 =	vld [tilespmem:s15+$0x260];
	v19 =	vadd.f32 v45, v19;
	(xrf2) =	vadd.scan.msk.f32 $0xffff, v4;
	v57 =	vmul.f32 v15, v0;
	v14 =	vadd.f32 v20, v55  }
0xe5: {  	v58 =	vmul.f32 v22, v1;
	v6 =	vadd.f32 v13, v6;
	(xrf2) =	vadd.scan.msk.f32 $0xffff, v8;
	v11 =	vadd.f32 v62, v11;
	v62 =	vld [tilespmem:s15+$0x290]  }
0xe6: {  	v56 =	vld [tilespmem:s15+$0x270];
	v31 =	vmul.f32 v46, v3;
	v7 =	vadd.f32 v23, v7;
	v19 =	vadd.f32 v47, v19;
	(xrf2) =	vadd.scan.msk.f32 $0xffff, v5  }
0xe7: {  	v35 =	vld [tilespmem:s15+$0x2C0];
	v34 =	vmul.f32 v41, v0;
	v4 =	vadd.f32 v57, v12;
	v33 =	vadd.f32 v61, v14;
	(xrf2) =	vadd.scan.msk.f32 $0xffff, v9  }
0xe8: {  	v38 =	vld [tilespmem:s15+$0x2D0];
	v39 =	vmul.f32 v50, v2;
	v6 =	vadd.f32 v10, v6;
	v10 =	vadd.f32 v53, v52;
	(xrf2) =	vadd.scan.msk.f32 $0xffff, v7  }
0xe9: {  	v41 =	vld [tilespmem:s15+$0x2B0];
	v36 =	vadd.f32 v31, v30;
	v40 =	vmul.f32 v51, v3;
	v45 =	vmul.f32 v49, v0;
	(xrf2) =	vadd.scan.msk.f32 $0xffff, v11  }
0xea: {  	v44 =	vld [tilespmem:s15+$0x2E0];
	v46 =	vmul.f32 v54, v1;
	v63 =	vadd.f32 v58, v10;
	(xrf2) =	vadd.scan.msk.f32 $0xffff, v16;
	v43 =	vmul.f32 v62, v3  }
0xeb: {  	v47 =	vmul.f32 v56, v0;
	v7 =	vadd.f32 v37, v36;
	v11 =	vadd.f32 v40, v39;
	(xrf2) =	vadd.scan.msk.f32 $0xffff, v19  }
0xec: {  	v49 =	vld [tilespmem:s15+$0x2F0];
	v51 =	vmul.f32 v35, v2;
	v5 =	vadd.f32 v60, v63;
	(xrf2) =	vadd.scan.msk.f32 $0xffff, v6;
	v8 =	vadd.f32 v43, v42  }
0xed: {  	v9 =	vadd.f32 v34, v33;
	v10 =	vmul.f32 v38, v3;
	v50 =	vadd.f32 v46, v11;
	(xrf2) =	vadd.scan.msk.f32 $0xffff, v4  }
0xee: {  	v55 =	vmul.f32 v41, v0;
	v53 =	vadd.f32 v45, v7;
	v52, _, _ =	vpop (xrf2);
	(xrf2) =	vadd.scan.msk.f32 $0xffff, v5;
	v54 =	vadd.f32 v48, v8  }
0xef: {  	v58 =	vmul.f32 v44, v1;
	v57 =	vadd.f32 v10, v51;
	v4 =	vadd.f32 v47, v50;
	v56, _, _ =	vpop (xrf2);
	(xrf2) =	vadd.scan.msk.f32 $0xffff, v9  }
0xf0: {  	v59 =	vbroadcast v52, $0xF;
	v60 =	vbroadcast v56, $0xF;
	v61, _, _ =	vpop (xrf2);
	(xrf2) =	vadd.scan.msk.f32 $0xffff, v53;
	v62 =	vadd.f32 v55, v54  }
0xf1: {  	v14 =	vmul.f32 v49, v0;
	v13 =	vadd.f32 v58, v57;
	v63 =	vbroadcast v61, $0xF;
	v12, _, _ =	vpop (xrf2);
	(xrf2) =	vadd.scan.msk.f32 $0xffff, v4  }
0xf2: {  	v15 =	vsel vm0, v59, v60;
	v8 =	vbroadcast v12, $0xF;
	v16, _, _ =	vpop (xrf2);
	(xrf2) =	vadd.scan.msk.f32 $0xffff, v62  }
0xf3: {  	v4 =	vadd.f32 v14, v13;
	v17, _, _ =	vpop (xrf2);
	v7 =	vsel vm1, v15, v63;
	v18 =	vbroadcast v16, $0xF  }
0xf4: {  	v19, _, _ =	vpop (xrf2);
	v7 =	vsel vm2, v7, v8;
	v5 =	vbroadcast v17, $0xF  }
0xf5: {  	v7 =	vsel vm3, v7, v18;
	v6 =	vbroadcast v19, $0xF;
	v20, _, _ =	vpop (xrf2);
	(xrf2) =	vadd.scan.msk.f32 $0xffff, v4  }
0xf6: {  	v21 =	vsel vm4, v7, v5;
	v22 =	vbroadcast v20, $0xF;
	v23, _, _ =	vpop (xrf2)  }
0xf7: {  	v4 =	vsel vm5, v21, v6;
	v24 =	vbroadcast v23, $0xF;
	v25, _, _ =	vpop (xrf2)  }
0xf8: {  	v4 =	vsel vm6, v4, v22;
	v26 =	vbroadcast v25, $0xF;
	v27, _, _ =	vpop (xrf2)  }
0xf9: {  	v4 =	vsel vm7, v4, v24;
	v28 =	vbroadcast v27, $0xF;
	v29, _, _ =	vpop (xrf2)  }
0xfa: {  	v4 =	vsel vm8, v4, v26;
	v30 =	vbroadcast v29, $0xF;
	v31, _, _ =	vpop (xrf2)  }
0xfb: {  	v4 =	vsel vm9, v4, v28;
	v32 =	vbroadcast v31, $0xF;
	v33, _, _ =	vpop (xrf2)  }
0xfc: {  	v4 =	vsel vm10, v4, v30;
	v34 =	vbroadcast v33, $0xF;
	v35, _, _ =	vpop (xrf2)  }
0xfd: {  	v4 =	vsel vm11, v4, v32;
	v36 =	vbroadcast v35, $0xF  }
0xfe: {  	v4 =	vsel vm12, v4, v34  }
0xff: {  	v37, _, _ =	vpop (xrf2);
	v4 =	vsel vm13, v4, v36  }
0x100: {  	v4 =	vsel vm14, v4, v37  }
0x101: {  	[tilespmem:s17+$0x14D30] =	vst v4  }
0x102: {  	v4 =	vld [tilespmem:s15+$0x300]  }
0x103: {  	v38 =	vld [tilespmem:s15+$0x310]  }
0x104: {  	v39 =	vld [tilespmem:s15+$0x320]  }
0x105: {  	v40 =	vld [tilespmem:s15+$0x330]  }
0x106: {  	v41 =	vld [tilespmem:s15+$0x340]  }
0x107: {  	v42 =	vld [tilespmem:s15+$0x350]  }
0x108: {  	v43 =	vld [tilespmem:s15+$0x360]  }
0x109: {  	v44 =	vld [tilespmem:s15+$0x370]  }
0x10a: {  	v45 =	vld [tilespmem:s15+$0x380]  }
0x10b: {  	v46 =	vld [tilespmem:s15+$0x390]  }
0x10c: {  	v47 =	vld [tilespmem:s15+$0x3A0]  }
0x10d: {  	v48 =	vld [tilespmem:s15+$0x3B0]  }
0x10e: {  	v49 =	vld [tilespmem:s15+$0x3C0]  }
0x10f: {  	v50 =	vld [tilespmem:s15+$0x3D0]  }
0x110: {  	v51 =	vld [tilespmem:s15+$0x3E0]  }
0x111: {  	v52 =	vld [tilespmem:s15+$0x3F0];
	v4 =	vmul.f32 v4, v2  }
0x112: {  	v53 =	vld [tilespmem:s15+$0x400];
	v5 =	vmul.f32 v38, v3;
	v8 =	vmul.f32 v41, v2  }
0x113: {  	v54 =	vld [tilespmem:s15+$0x410];
	v9 =	vmul.f32 v42, v3;
	v56 =	vmul.f32 v39, v1  }
0x114: {  	v59 =	vld [tilespmem:s15+$0x440];
	v58 =	vmul.f32 v43, v1;
	v60 =	vmul.f32 v40, v0  }
0x115: {  	v61 =	vld [tilespmem:s15+$0x450];
	v62 =	vmul.f32 v44, v0;
	v23 =	vmul.f32 v45, v2  }
0x116: {  	v28 =	vld [tilespmem:s15+$0x480];
	v24 =	vmul.f32 v46, v3;
	v26 =	vmul.f32 v49, v2  }
0x117: {  	v31 =	vld [tilespmem:s15+$0x490];
	v27 =	vmul.f32 v50, v3;
	v29 =	vmul.f32 v47, v1  }
0x118: {  	v34 =	vld [tilespmem:s15+$0x4C0];
	v30 =	vmul.f32 v48, v0;
	v32 =	vmul.f32 v51, v1  }
0x119: {  	v37 =	vld [tilespmem:s15+$0x4D0];
	v33 =	vmul.f32 v52, v0;
	v35 =	vmul.f32 v53, v2  }
0x11a: {  	v55 =	vld [tilespmem:s15+$0x420];
	v36 =	vmul.f32 v54, v3;
	v10 =	vmul.f32 v59, v2  }
0x11b: {  	v63 =	vld [tilespmem:s15+$0x460];
	v7 =	vmul.f32 v61, v3;
	v43 =	vmul.f32 v28, v2  }
0x11c: {  	v57 =	vld [tilespmem:s15+$0x430];
	v15 =	vmul.f32 v31, v3;
	v4 =	vadd.f32 v5, v4;
	v8 =	vadd.f32 v9, v8  }
0x11d: {  	v25 =	vld [tilespmem:s15+$0x470];
	v2 =	vmul.f32 v34, v2;
	v5 =	vadd.f32 v24, v23;
	v9 =	vadd.f32 v27, v26  }
0x11e: {  	v38 =	vld [tilespmem:s15+$0x4A0];
	v3 =	vmul.f32 v37, v3;
	v12 =	vadd.f32 v36, v35;
	v7 =	vadd.f32 v7, v10  }
0x11f: {  	v39 =	vmul.f32 v55, v1;
	v40 =	vld [tilespmem:s15+$0x4E0];
	v45 =	vadd.f32 v15, v43;
	v4 =	vadd.f32 v56, v4  }
0x120: {  	v41 =	vmul.f32 v63, v1;
	v42 =	vld [tilespmem:s15+$0x4B0];
	v2 =	vadd.f32 v3, v2;
	v8 =	vadd.f32 v58, v8  }
0x121: {  	v44 =	vld [tilespmem:s15+$0x4F0];
	v6 =	vmul.f32 v57, v0;
	v5 =	vadd.f32 v29, v5;
	v4 =	vadd.f32 v60, v4  }
0x122: {  	v47 =	vmul.f32 v25, v0;
	v9 =	vadd.f32 v32, v9;
	v8 =	vadd.f32 v62, v8  }
0x123: {  	v12 =	vadd.f32 v39, v12;
	v46 =	vmul.f32 v38, v1;
	v5 =	vadd.f32 v30, v5;
	(xrf2) =	vadd.scan.msk.f32 $0xffff, v4  }
0x124: {  	v7 =	vadd.f32 v41, v7;
	v1 =	vmul.f32 v40, v1;
	v9 =	vadd.f32 v33, v9;
	(xrf2) =	vadd.scan.msk.f32 $0xffff, v8  }
0x125: {  	v49 =	vmul.f32 v42, v0;
	v48 =	vadd.f32 v6, v12;
	v4 =	vadd.f32 v46, v45;
	(xrf2) =	vadd.scan.msk.f32 $0xffff, v5  }
0x126: {  	v0 =	vmul.f32 v44, v0;
	v3 =	vadd.f32 v47, v7;
	v1 =	vadd.f32 v1, v2;
	(xrf2) =	vadd.scan.msk.f32 $0xffff, v9  }
0x127: {  	v50 =	vadd.f32 v49, v4;
	(xrf2) =	vadd.scan.msk.f32 $0xffff, v48  }
0x128: {  	v0 =	vadd.f32 v0, v1;
	(xrf2) =	vadd.scan.msk.f32 $0xffff, v3  }
0x129: {  	(xrf2) =	vadd.scan.msk.f32 $0xffff, v50  }
0x12a: {  	(xrf2) =	vadd.scan.msk.f32 $0xffff, v0;
	_ =	sdelay $0x2  }
0x12b: {  	v51, _, _ =	vpop (xrf2)  }
0x12c: {  	v52, _, _ =	vpop (xrf2);
	v0 =	vbroadcast v51, $0xF  }
0x12d: {  	v53, _, _ =	vpop (xrf2);
	v1 =	vbroadcast v52, $0xF  }
0x12e: {  	vm15 =	vcmask $0x320;
	v54, _, _ =	vpop (xrf2);
	v0 =	vnsel vm0, $0x0, v0;
	v2 =	vbroadcast v53, $0xF  }
0x12f: {  	v55, _, _ =	vpop (xrf2);
	v0 =	vsel vm15, v0, v1;
	v56 =	vbroadcast v54, $0xF;
	vm15 =	vcmask $0x720  }
0x130: {  	v57, _, _ =	vpop (xrf2);
	v0 =	vsel vm15, v0, v2;
	v58 =	vbroadcast v55, $0xF;
	vm15 =	vcmask $0xB20  }
0x131: {  	p0 =	sne.s32 s14, $0x1740;
	v59, _, _ =	vpop (xrf2);
	v0 =	vsel vm15, v0, v56;
	v60 =	vbroadcast v57, $0xF;
	vm15 =	vcmask $0xF20  }
.Ltmp0:
0x132: {  	v0 =	vsel vm15, v0, v58;
	v61 =	vbroadcast v59, $0xF;
	v62, _, _ =	vpop (xrf2);
	vm15 =	vcmask $0x1320;
	(pc) =	sbr.rel @p0 .LBB2_3-.Ltmp0, $4  }
0x133: {  	v0 =	vsel vm15, v0, v60;
	v63 =	vbroadcast v62, $0xF;
	vm15 =	vcmask $0x1720  }
0x134: {  	v0 =	vsel vm15, v0, v61;
	vm15 =	vcmask $0x1B20  }
0x135: {  	v0 =	vsel vm15, v0, v63  }
0x136: {  	s16 =	sadd.s32 $0x40, s16;
	s14 =	sadd.s32 $0xC0, s14;
	s15 =	sadd.s32 $0xA00, s15;
	[tilespmem:s17+$0x14D40] =	vst v0  }
0x137: {  	s12 =	smul.u32 $0x6, s12;
	s2 =	sadd.s32 $0x1, s2  }
0x138: {  	p0 =	sne.s32 s2, $0x10  }
.Ltmp1:
0x139: {  	s14 =	simm.s32 $0x0;
	s12 =	sadd.s32 s7, s12;
	(pc) =	sbr.rel @p0 .LBB2_2-.Ltmp1, $4  }
0x13a: {  	[hbm4b:s12+s14] =	stream.linear.scatter [tilespmem:s1], [sflag:$0x2], $0x600, $0x38;
	[tilespmem:$0x15320] =	vst v63  }
0x13b: {  	_ =	swait.ge [sflag:s10], $0x600  }
0x13c: {  	[sflag:s10] =	ssyncset.done $0x0  }
0x13d: {  	[sflag:s10] =	ssyncadd.s32 $0xFFFFFA00  }
0x13e: {  	s12 =	rddreg [dreg:$0x4]  }
0x13f: {  	s2 =	rddreg [dreg:$0x3];
	s12 =	sadd.s32 $0x1, s12  }
0x140: {  	p0 =	sne.s32 s12, s2  }
.Ltmp2:
0x141: {  	_ = 	snop;
	(pc) =	sbr.rel @p0 .LBB2_1-.Ltmp2, $1  }
0x142: {  	_ =	sdelay $0x3  }
0x143: {  	_ =	sfence.sel $0x180000  }
0x144: {  	[bflag:$0x0] =	sbarrier.arrive $0xFFFF  }
0x145: {  	_ =	strace $0x90000047  }
0x146: {  	s0 =	stileid.u32;
	[bflag:$0x2] =	sbarrier.arrive $0xFFFF  }
0x147: {  	p0 =	sne.s32 s0, $0x0;
	s0 =	rddreg [dreg:$0x2]  }
0x148: {  	s0 =	sadd.s32 @!p0 $0x100000, s0  }
0x149: {  	[sflag:s0] =	ssyncadd.tile.s32 @!p0 $0x1;
	_ =	shalt  }
.Lfunc_end2:
_tile_overlayer_lowered:
.L_overlay_start_2:
0x14a: {  	(tag) =	ssettag $0x2  }
0x14b: {  	s0 =	rddreg [dreg:$0x0];
	s2 =	stileid.u32  }
0x14c: {  	s1 =	rddreg [dreg:$0x1];
	p0 =	sne.s32 s2, $0x0  }
0x14d: {  	s3 =	rddreg [dreg:$0x2];
	[bflag:$0x3] =	sbarrier.arrive $0xFFFF;
	s2 =	simm.s32 @!p0 $0x1C02  }
0x14e: {  	[timem:s3], [sflag:s2] =	dma.local @!p0 [hbm:s0], s1  }
0x14f: {  	s0 =	simm.s32 @!p0 $0x2  }
0x150: {  	_ =	swait.ge @!p0 [sflag:s0], s1  }
0x151: {  	s1 =	ssub.s32 @!p0 $0x0, s1;
	[sflag:s0] =	ssyncset.done @!p0 $0x0  }
0x152: {  	[sflag:s0] =	ssyncadd.s32 @!p0 s1  }
0x153: {  	[bflag:$0x3] =	sbarrier.arrive $0xFFFF  }
0x154: {  	_ =	shalt  }

</sc_bundles>
